<compile_context>
chip_gen: v7x
topology: tpu7x:2x2x1
jax: 0.10.2.dev20260603
libtpu: 0.0.44.dev20260713+nightly
codegen_flags: <defaults>
</compile_context>

<pallas_src>
import jax
import jax.numpy as jnp
from jax import lax
from jax.experimental import pallas as pl
from jax.experimental.pallas import tpu as pltpu
from jax.experimental.pallas import tpu_sc as plsc

B, S = 1024, 200
BS = B * S
HALF = BS // 2
INTD = 64
GW = 128
HD = 192
REP = 64


_NC, _NS = 2, 16
_NW = _NC * _NS
_C = 64


def _make_sc_body(n_tab, src_base, n_pos):
    per_w = n_pos // _NW
    nchunk = per_w // _C

    def body(*refs):
        idxs = refs[:n_tab]
        tabs = refs[n_tab:2 * n_tab]
        outs = refs[2 * n_tab:3 * n_tab]
        ivs = refs[3 * n_tab:4 * n_tab]
        bufs = (refs[4 * n_tab:5 * n_tab], refs[5 * n_tab:6 * n_tab])
        sems = refs[6 * n_tab:6 * n_tab + 2]

        wid = lax.axis_index("s") * _NC + lax.axis_index("c")
        src0 = src_base + wid * per_w
        dst0 = wid * per_w

        for j in range(n_tab):
            pltpu.sync_copy(idxs[j].at[pl.ds(src0, per_w)], ivs[j])

        t2d = [t.at[0] if len(t.shape) == 3 else t for t in tabs]

        def fire(g, s):
            for j in range(n_tab):
                pltpu.async_copy(t2d[j].at[ivs[j].at[pl.ds(g * _C, _C)]],
                                 bufs[s][j], sems[s])

        def drain(s):
            for j in range(n_tab):
                pltpu.make_async_copy(t2d[j].at[pl.ds(0, _C)],
                                      bufs[s][j], sems[s]).wait()

        def scatter(g, s):
            base = dst0 + g * _C
            for j in range(n_tab):
                pltpu.sync_copy(bufs[s][j], outs[j].at[pl.ds(base, _C)])

        fire(0, 0)

        def pair(k, _):
            g = 2 * k
            fire(g + 1, 1)
            drain(0)
            scatter(g, 0)
            fire(g + 2, 0)
            drain(1)
            scatter(g + 1, 1)
            return ()

        lax.fori_loop(0, nchunk // 2 - 1, pair, (), unroll=False)
        g = nchunk - 2
        fire(g + 1, 1)
        drain(0)
        scatter(g, 0)
        drain(1)
        scatter(g + 1, 1)

    return body


def _sc_gather(idxs, tabs, src_base, n_pos):
    n_tab = len(tabs)
    per_w = n_pos // _NW
    mesh = plsc.VectorSubcoreMesh(core_axis_name="c", subcore_axis_name="s")
    row = jax.ShapeDtypeStruct((n_pos, GW), jnp.float32)
    ebuf = pltpu.VMEM((_C, GW), jnp.float32)
    f = pl.kernel(
        _make_sc_body(n_tab, src_base, n_pos),
        mesh=mesh,
        out_type=tuple([row] * n_tab),
        scratch_types=(
            [pltpu.VMEM((per_w,), jnp.int32)] * n_tab
            + [ebuf] * (2 * n_tab)
            + [pltpu.SemaphoreType.DMA, pltpu.SemaphoreType.DMA]
        ),
    )
    out = f(*idxs, *tabs)
    return out if isinstance(out, (tuple, list)) else (out,)



_R = 2048
_NBLK = HALF // _R


def _tc_body(c1_ref, c2_ref, c3_ref, i0_ref, el_ref, du_ref, emb0_ref,
             w0_ref, w_ref, wel_ref, wdu_ref, b_ref, *rest):
    out_ref = rest[-1]
    w = w_ref[...]
    acc = jnp.dot(c1_ref[...], w[0 * GW:1 * GW],
                  preferred_element_type=jnp.float32)
    acc += jnp.dot(c2_ref[...], w[1 * GW:2 * GW],
                   preferred_element_type=jnp.float32)
    acc += jnp.dot(c3_ref[...], w[2 * GW:3 * GW],
                   preferred_element_type=jnp.float32)
    m0 = jnp.dot(emb0_ref[...], w0_ref[...],
                 preferred_element_type=jnp.float32)
    iota8 = lax.broadcasted_iota(jnp.int32, (1, 8), 1)
    oh = jnp.where(i0_ref[...][:, None] == iota8, 1.0, 0.0)
    acc += jnp.dot(oh, m0, preferred_element_type=jnp.float32)
    el = el_ref[...][:, None]
    du = du_ref[...][:, None]
    out_ref[...] = (acc + el * wel_ref[...][None, :] + du * wdu_ref[...][None, :]
                    + b_ref[...][None, :])


def _tc_matmul(half, c1, c2, c3, i0, el, du, emb0, w0, w_mid, w_el, w_du, b,
               xprev=None):
    off = half * _NBLK
    half_spec = pl.BlockSpec((_R, GW), lambda i: (i, 0))
    flat_spec = pl.BlockSpec((_R,), lambda i, off=off: (i + off,))
    in_specs = [
        half_spec, half_spec, half_spec,
        flat_spec, flat_spec, flat_spec,
        pl.BlockSpec((8, INTD), lambda i: (0, 0)),
        pl.BlockSpec((INTD, HD), lambda i: (0, 0)),
        pl.BlockSpec((3 * GW, HD), lambda i: (0, 0)),
        pl.BlockSpec((HD,), lambda i: (0,)),
        pl.BlockSpec((HD,), lambda i: (0,)),
        pl.BlockSpec((HD,), lambda i: (0,)),
    ]
    args = [c1, c2, c3, i0, el, du, emb0, w0, w_mid, w_el, w_du, b]
    aliases = {}
    if xprev is not None:
        in_specs.append(pl.BlockSpec(memory_space=pl.ANY))
        args.append(xprev)
        aliases = {12: 0}
    return pl.pallas_call(
        _tc_body,
        grid=(_NBLK,),
        in_specs=in_specs,
        out_specs=pl.BlockSpec((_R, HD), lambda i, off=off: (i + off, 0)),
        out_shape=jax.ShapeDtypeStruct((BS, HD), jnp.float32),
        input_output_aliases=aliases,
    )(*args)


def kernel(interaction, assessmentItemID, testId, KnowledgeTag, elapsed,
           duration, emb_interaction, emb_assessmentItemID, emb_testId,
           emb_KnowledgeTag, W, b):
    batch_size, seq_len = interaction.shape[0], interaction.shape[1]
    zcol = jnp.zeros((1, 100001, GW - INTD), jnp.float32)
    t1 = jnp.concatenate([emb_assessmentItemID[None], zcol], axis=2)
    rep = lambda t: jnp.tile(jnp.pad(t, ((0, 1024 - 1001), (0, GW - INTD))),
                             (REP, 1))
    t2 = rep(emb_testId)
    t3 = rep(emb_KnowledgeTag)
    iota = jnp.arange(BS, dtype=jnp.int32)
    spread = (iota & (REP - 1)) << 10
    i1 = assessmentItemID.reshape(-1)
    i2 = testId.reshape(-1) + spread
    i3 = KnowledgeTag.reshape(-1) + spread
    c1a, c2a, c3a = _sc_gather((i1, i2, i3), (t1, t2, t3), 0, HALF)
    c1b, c2b, c3b = _sc_gather((i1, i2, i3), (t1, t2, t3), HALF, HALF)
    emb0 = jnp.pad(emb_interaction, ((0, 8 - 3), (0, 0)))
    w_pad = jnp.concatenate(
        [W[INTD:4 * INTD].reshape(3, INTD, HD),
         jnp.zeros((3, GW - INTD, HD), jnp.float32)], axis=1).reshape(3 * GW, HD)
    i0 = interaction.reshape(-1)
    el = elapsed.reshape(-1)
    du = duration.reshape(-1)
    common = (i0, el, du, emb0, W[:INTD], w_pad,
              W[4 * INTD], W[4 * INTD + 1], b)
    xa = _tc_matmul(0, c1a, c2a, c3a, *common)
    x = _tc_matmul(1, c1b, c2b, c3b, *common, xprev=xa)
    return (x.reshape(batch_size, seq_len, HD), batch_size, seq_len)

# --- scband reference (transcript-rebuilt; emitter-appended) ---
"""Pipeline reference for scband-model-base-36421322670789 (READ-ONLY COPY).

The authoritative reference and input builder live on the scoring server;
editing this copy changes nothing except your own understanding.
"""

import jax, jax.numpy as jnp
import numpy as np

B, S = 1024, 200
INTD = 64
HD = 192
N_ITEM, N_TEST, N_TAG = 100000, 1000, 1000
IN_DIM = INTD * 4 + 2

def setup_inputs(seed: int = 0):
    key = jax.random.key(seed)
    ks = jax.random.split(key, 12)
    inp = {}
    inp['interaction'] = jax.random.randint(ks[0], (B, S), 0, 3, dtype=jnp.int32)
    inp['assessmentItemID'] = jax.random.randint(ks[1], (B, S), 0, N_ITEM + 1, dtype=jnp.int32)
    inp['testId'] = jax.random.randint(ks[2], (B, S), 0, N_TEST + 1, dtype=jnp.int32)
    inp['KnowledgeTag'] = jax.random.randint(ks[3], (B, S), 0, N_TAG + 1, dtype=jnp.int32)
    inp['elapsed'] = jax.random.uniform(ks[4], (B, S), dtype=jnp.float32)
    inp['duration'] = jax.random.uniform(ks[5], (B, S), dtype=jnp.float32)
    inp['emb_interaction'] = jax.random.normal(ks[6], (3, INTD), dtype=jnp.float32) * 0.02
    inp['emb_assessmentItemID'] = jax.random.normal(ks[7], (N_ITEM + 1, INTD), dtype=jnp.float32) * 0.02
    inp['emb_testId'] = jax.random.normal(ks[8], (N_TEST + 1, INTD), dtype=jnp.float32) * 0.02
    inp['emb_KnowledgeTag'] = jax.random.normal(ks[9], (N_TAG + 1, INTD), dtype=jnp.float32) * 0.02
    inp['W'] = jax.random.normal(ks[10], (IN_DIM, HD), dtype=jnp.float32) * (1.0 / np.sqrt(IN_DIM))
    inp['b'] = jnp.zeros((HD,), dtype=jnp.float32)
    return inp

def reference(interaction, assessmentItemID, testId, KnowledgeTag, elapsed, duration, emb_interaction, emb_assessmentItemID, emb_testId, emb_KnowledgeTag, W, b):
    batch_size, seq_len = interaction.shape[0], interaction.shape[1]
    e0 = jnp.take(emb_interaction, interaction, axis=0)
    e1 = jnp.take(emb_assessmentItemID, assessmentItemID, axis=0)
    e2 = jnp.take(emb_testId, testId, axis=0)
    e3 = jnp.take(emb_KnowledgeTag, KnowledgeTag, axis=0)
    embed = jnp.concatenate([e0, e1, e2, e3], axis=2)
    embed = jnp.concatenate([embed, elapsed[:, :, None], duration[:, :, None]], axis=2).astype(jnp.float32)
    X = embed @ W + b
    return (X, batch_size, seq_len)

if __name__ == "__main__":
    import jax
    _d = setup_inputs()
    print(jax.jit(kernel)(*tuple(_d.values())))

</pallas_src>

<mosaic_0001>
#map = affine_map<(d0, d1) -> (0)>
#map1 = affine_map<(d0, d1) -> (0, 0, 0)>
#map2 = affine_map<(d0, d1) -> (0, 0)>
module attributes {stable_mosaic.version = 14 : i64} {
  func.func @body(%arg0: i32, %arg1: i32, %arg2: memref<204800xi32, #tpu.memory_space<hbm>>, %arg3: memref<204800xi32, #tpu.memory_space<hbm>>, %arg4: memref<204800xi32, #tpu.memory_space<hbm>>, %arg5: memref<1x100001x128xf32, #tpu.memory_space<hbm>>, %arg6: memref<65536x128xf32, #tpu.memory_space<hbm>>, %arg7: memref<65536x128xf32, #tpu.memory_space<hbm>>, %arg8: memref<102400x128xf32, #tpu.memory_space<hbm>>, %arg9: memref<102400x128xf32, #tpu.memory_space<hbm>>, %arg10: memref<102400x128xf32, #tpu.memory_space<hbm>>, %arg11: memref<3200xi32, #tpu.memory_space<vmem>>, %arg12: memref<3200xi32, #tpu.memory_space<vmem>>, %arg13: memref<3200xi32, #tpu.memory_space<vmem>>, %arg14: memref<64x128xf32, #tpu.memory_space<vmem>>, %arg15: memref<64x128xf32, #tpu.memory_space<vmem>>, %arg16: memref<64x128xf32, #tpu.memory_space<vmem>>, %arg17: memref<64x128xf32, #tpu.memory_space<vmem>>, %arg18: memref<64x128xf32, #tpu.memory_space<vmem>>, %arg19: memref<64x128xf32, #tpu.memory_space<vmem>>, %arg20: memref<!tpu.dma_semaphore, #tpu.memory_space<semaphore_mem>>, %arg21: memref<!tpu.dma_semaphore, #tpu.memory_space<semaphore_mem>>) attributes {dimension_semantics = [#tpu.dimension_semantics<core_parallel>, #tpu.dimension_semantics<subcore_parallel>], iteration_bounds = array<i64: 2, 16>, scalar_prefetch = 0 : i64, scratch_operands = 11 : i64, tpu.core_type = #tpu.core_type<sc_vector_subcore>, window_params = [{transform_indices = #map}, {transform_indices = #map}, {transform_indices = #map}, {transform_indices = #map1}, {transform_indices = #map2}, {transform_indices = #map2}, {transform_indices = #map2}, {transform_indices = #map2}, {transform_indices = #map2}]} {
    %mul3A = arith.constant 2 : i32
    %mul3A_0 = arith.muli %arg1, %mul3A : i32
    %add3A = arith.addi %mul3A_0, %arg0 : i32
    %mul3A_1 = arith.constant 3200 : i32
    %mul3A_2 = arith.muli %add3A, %mul3A_1 : i32
    %add3A_3 = arith.constant 0 : i32
    %add3A_4 = arith.addi %add3A_3, %mul3A_2 : i32
    %mul3A_5 = arith.constant 3200 : i32
    %mul3A_6 = arith.muli %add3A, %mul3A_5 : i32
    "tpu.region"() ({
      %run_scoped3A = tpu.sem_alloc : memref<!tpu.dma_semaphore, #tpu.memory_space<semaphore_mem>>
      %dma_start3A_108 = tpu.memref_slice %arg2[%add3A_4] : memref<204800xi32, #tpu.memory_space<hbm>> -> memref<3200xi32, #tpu.memory_space<hbm>>
      %dma_start3A_109 = tpu.memref_slice %arg2[%add3A_4] : memref<204800xi32, #tpu.memory_space<hbm>> -> memref<3200xi32, #tpu.memory_space<hbm>>
      tpu.enqueue_dma source(%dma_start3A_109 : memref<3200xi32, #tpu.memory_space<hbm>>) target(%arg11 : memref<3200xi32, #tpu.memory_space<vmem>>) target_semaphore(%run_scoped3A : memref<!tpu.dma_semaphore, #tpu.memory_space<semaphore_mem>>)
      %dma_wait3A_110 = tpu.memref_slice %arg2[%add3A_4] : memref<204800xi32, #tpu.memory_space<hbm>> -> memref<3200xi32, #tpu.memory_space<hbm>>
      %dma_wait3A_111 = tpu.memref_slice %arg2[%add3A_4] : memref<204800xi32, #tpu.memory_space<hbm>> -> memref<3200xi32, #tpu.memory_space<hbm>>
      tpu.wait_dma2 semaphore(%run_scoped3A : memref<!tpu.dma_semaphore, #tpu.memory_space<semaphore_mem>>) src(%dma_wait3A_111 : memref<3200xi32, #tpu.memory_space<hbm>>) dst(%arg11 : memref<3200xi32, #tpu.memory_space<vmem>>)
      tpu.yield
    }) : () -> ()
    "tpu.region"() ({
      %run_scoped3A = tpu.sem_alloc : memref<!tpu.dma_semaphore, #tpu.memory_space<semaphore_mem>>
      %dma_start3A_108 = tpu.memref_slice %arg3[%add3A_4] : memref<204800xi32, #tpu.memory_space<hbm>> -> memref<3200xi32, #tpu.memory_space<hbm>>
      %dma_start3A_109 = tpu.memref_slice %arg3[%add3A_4] : memref<204800xi32, #tpu.memory_space<hbm>> -> memref<3200xi32, #tpu.memory_space<hbm>>
      tpu.enqueue_dma source(%dma_start3A_109 : memref<3200xi32, #tpu.memory_space<hbm>>) target(%arg12 : memref<3200xi32, #tpu.memory_space<vmem>>) target_semaphore(%run_scoped3A : memref<!tpu.dma_semaphore, #tpu.memory_space<semaphore_mem>>)
      %dma_wait3A_110 = tpu.memref_slice %arg3[%add3A_4] : memref<204800xi32, #tpu.memory_space<hbm>> -> memref<3200xi32, #tpu.memory_space<hbm>>
      %dma_wait3A_111 = tpu.memref_slice %arg3[%add3A_4] : memref<204800xi32, #tpu.memory_space<hbm>> -> memref<3200xi32, #tpu.memory_space<hbm>>
      tpu.wait_dma2 semaphore(%run_scoped3A : memref<!tpu.dma_semaphore, #tpu.memory_space<semaphore_mem>>) src(%dma_wait3A_111 : memref<3200xi32, #tpu.memory_space<hbm>>) dst(%arg12 : memref<3200xi32, #tpu.memory_space<vmem>>)
      tpu.yield
    }) : () -> ()
    "tpu.region"() ({
      %run_scoped3A = tpu.sem_alloc : memref<!tpu.dma_semaphore, #tpu.memory_space<semaphore_mem>>
      %dma_start3A_108 = tpu.memref_slice %arg4[%add3A_4] : memref<204800xi32, #tpu.memory_space<hbm>> -> memref<3200xi32, #tpu.memory_space<hbm>>
      %dma_start3A_109 = tpu.memref_slice %arg4[%add3A_4] : memref<204800xi32, #tpu.memory_space<hbm>> -> memref<3200xi32, #tpu.memory_space<hbm>>
      tpu.enqueue_dma source(%dma_start3A_109 : memref<3200xi32, #tpu.memory_space<hbm>>) target(%arg13 : memref<3200xi32, #tpu.memory_space<vmem>>) target_semaphore(%run_scoped3A : memref<!tpu.dma_semaphore, #tpu.memory_space<semaphore_mem>>)
      %dma_wait3A_110 = tpu.memref_slice %arg4[%add3A_4] : memref<204800xi32, #tpu.memory_space<hbm>> -> memref<3200xi32, #tpu.memory_space<hbm>>
      %dma_wait3A_111 = tpu.memref_slice %arg4[%add3A_4] : memref<204800xi32, #tpu.memory_space<hbm>> -> memref<3200xi32, #tpu.memory_space<hbm>>
      tpu.wait_dma2 semaphore(%run_scoped3A : memref<!tpu.dma_semaphore, #tpu.memory_space<semaphore_mem>>) src(%dma_wait3A_111 : memref<3200xi32, #tpu.memory_space<hbm>>) dst(%arg13 : memref<3200xi32, #tpu.memory_space<vmem>>)
      tpu.yield
    }) : () -> ()
    %dma_start3A = arith.constant 0 : i32
    %dma_start3A_7 = arith.constant 0 : i32
    %dma_start3A_8 = tpu.memref_slice %arg11[%dma_start3A_7] : memref<3200xi32, #tpu.memory_space<vmem>> -> memref<64xi32, #tpu.memory_space<vmem>>
    %dma_start3A_9 = arith.constant 0 : i32
    %dma_start3A_10 = arith.constant 0 : i32
    %dma_start3A_11 = tpu.memref_slice %arg5[%dma_start3A, %dma_start3A_9, %dma_start3A_10] : memref<1x100001x128xf32, #tpu.memory_space<hbm>> -> memref<1x100001x128xf32, #tpu.memory_space<hbm>>
    %dma_start3A_12 = tpu.memref_squeeze %dma_start3A_11 : memref<1x100001x128xf32, #tpu.memory_space<hbm>> -> memref<100001x128xf32, #tpu.memory_space<hbm>>
    %dma_start3A_13 = arith.constant 0 : i32
    %dma_start3A_14 = arith.constant 0 : i32
    %dma_start3A_15 = tpu.memref_slice %dma_start3A_12[%dma_start3A_13, %dma_start3A_14] : memref<100001x128xf32, #tpu.memory_space<hbm>> -> memref<100001x128xf32, #tpu.memory_space<hbm>>
    tpu.enqueue_indirect_dma source(%dma_start3A_15 : memref<100001x128xf32, #tpu.memory_space<hbm>>) target(%arg14 : memref<64x128xf32, #tpu.memory_space<vmem>>) offsets(%dma_start3A_8 : memref<64xi32, #tpu.memory_space<vmem>>) semaphore(%arg20 : memref<!tpu.dma_semaphore, #tpu.memory_space<semaphore_mem>>)
    %dma_start3A_16 = arith.constant 0 : i32
    %dma_start3A_17 = tpu.memref_slice %arg12[%dma_start3A_16] : memref<3200xi32, #tpu.memory_space<vmem>> -> memref<64xi32, #tpu.memory_space<vmem>>
    %dma_start3A_18 = arith.constant 0 : i32
    %dma_start3A_19 = arith.constant 0 : i32
    %dma_start3A_20 = tpu.memref_slice %arg6[%dma_start3A_18, %dma_start3A_19] : memref<65536x128xf32, #tpu.memory_space<hbm>> -> memref<65536x128xf32, #tpu.memory_space<hbm>>
    tpu.enqueue_indirect_dma source(%dma_start3A_20 : memref<65536x128xf32, #tpu.memory_space<hbm>>) target(%arg15 : memref<64x128xf32, #tpu.memory_space<vmem>>) offsets(%dma_start3A_17 : memref<64xi32, #tpu.memory_space<vmem>>) semaphore(%arg20 : memref<!tpu.dma_semaphore, #tpu.memory_space<semaphore_mem>>)
    %dma_start3A_21 = arith.constant 0 : i32
    %dma_start3A_22 = tpu.memref_slice %arg13[%dma_start3A_21] : memref<3200xi32, #tpu.memory_space<vmem>> -> memref<64xi32, #tpu.memory_space<vmem>>
    %dma_start3A_23 = arith.constant 0 : i32
    %dma_start3A_24 = arith.constant 0 : i32
    %dma_start3A_25 = tpu.memref_slice %arg7[%dma_start3A_23, %dma_start3A_24] : memref<65536x128xf32, #tpu.memory_space<hbm>> -> memref<65536x128xf32, #tpu.memory_space<hbm>>
    tpu.enqueue_indirect_dma source(%dma_start3A_25 : memref<65536x128xf32, #tpu.memory_space<hbm>>) target(%arg16 : memref<64x128xf32, #tpu.memory_space<vmem>>) offsets(%dma_start3A_22 : memref<64xi32, #tpu.memory_space<vmem>>) semaphore(%arg20 : memref<!tpu.dma_semaphore, #tpu.memory_space<semaphore_mem>>)
    %scan3A = arith.constant 0 : i32
    %scan3A_26 = arith.constant 0 : i32
    %scan3A_27 = arith.constant 24 : i32
    %scan3A_28 = arith.addi %scan3A_26, %scan3A_27 : i32
    %scan3A_29 = arith.constant 1 : i32
    scf.for %scan3A_108 = %scan3A_26 to %scan3A_28 step %scan3A_29  : i32 {
      %mul3A_109 = arith.constant 2 : i32
      %mul3A_110 = arith.muli %mul3A_109, %scan3A_108 : i32
      %add3A_111 = arith.constant 1 : i32
      %add3A_112 = arith.addi %mul3A_110, %add3A_111 : i32
      %mul3A_113 = arith.constant 64 : i32
      %mul3A_114 = arith.muli %add3A_112, %mul3A_113 : i32
      %dma_start3A_115 = tpu.memref_slice %arg11[%mul3A_114] : memref<3200xi32, #tpu.memory_space<vmem>> -> memref<64xi32, #tpu.memory_space<vmem>>
      %dma_start3A_116 = arith.constant 0 : i32
      %dma_start3A_117 = arith.constant 0 : i32
      %dma_start3A_118 = tpu.memref_slice %arg5[%scan3A, %dma_start3A_116, %dma_start3A_117] : memref<1x100001x128xf32, #tpu.memory_space<hbm>> -> memref<1x100001x128xf32, #tpu.memory_space<hbm>>
      %dma_start3A_119 = tpu.memref_squeeze %dma_start3A_118 : memref<1x100001x128xf32, #tpu.memory_space<hbm>> -> memref<100001x128xf32, #tpu.memory_space<hbm>>
      %dma_start3A_120 = arith.constant 0 : i32
      %dma_start3A_121 = arith.constant 0 : i32
      %dma_start3A_122 = tpu.memref_slice %dma_start3A_119[%dma_start3A_120, %dma_start3A_121] : memref<100001x128xf32, #tpu.memory_space<hbm>> -> memref<100001x128xf32, #tpu.memory_space<hbm>>
      tpu.enqueue_indirect_dma source(%dma_start3A_122 : memref<100001x128xf32, #tpu.memory_space<hbm>>) target(%arg17 : memref<64x128xf32, #tpu.memory_space<vmem>>) offsets(%dma_start3A_115 : memref<64xi32, #tpu.memory_space<vmem>>) semaphore(%arg21 : memref<!tpu.dma_semaphore, #tpu.memory_space<semaphore_mem>>)
      %mul3A_123 = arith.constant 64 : i32
      %mul3A_124 = arith.muli %add3A_112, %mul3A_123 : i32
      %dma_start3A_125 = tpu.memref_slice %arg12[%mul3A_124] : memref<3200xi32, #tpu.memory_space<vmem>> -> memref<64xi32, #tpu.memory_space<vmem>>
      %dma_start3A_126 = arith.constant 0 : i32
      %dma_start3A_127 = arith.constant 0 : i32
      %dma_start3A_128 = tpu.memref_slice %arg6[%dma_start3A_126, %dma_start3A_127] : memref<65536x128xf32, #tpu.memory_space<hbm>> -> memref<65536x128xf32, #tpu.memory_space<hbm>>
      tpu.enqueue_indirect_dma source(%dma_start3A_128 : memref<65536x128xf32, #tpu.memory_space<hbm>>) target(%arg18 : memref<64x128xf32, #tpu.memory_space<vmem>>) offsets(%dma_start3A_125 : memref<64xi32, #tpu.memory_space<vmem>>) semaphore(%arg21 : memref<!tpu.dma_semaphore, #tpu.memory_space<semaphore_mem>>)
      %mul3A_129 = arith.constant 64 : i32
      %mul3A_130 = arith.muli %add3A_112, %mul3A_129 : i32
      %dma_start3A_131 = tpu.memref_slice %arg13[%mul3A_130] : memref<3200xi32, #tpu.memory_space<vmem>> -> memref<64xi32, #tpu.memory_space<vmem>>
      %dma_start3A_132 = arith.constant 0 : i32
      %dma_start3A_133 = arith.constant 0 : i32
      %dma_start3A_134 = tpu.memref_slice %arg7[%dma_start3A_132, %dma_start3A_133] : memref<65536x128xf32, #tpu.memory_space<hbm>> -> memref<65536x128xf32, #tpu.memory_space<hbm>>
      tpu.enqueue_indirect_dma source(%dma_start3A_134 : memref<65536x128xf32, #tpu.memory_space<hbm>>) target(%arg19 : memref<64x128xf32, #tpu.memory_space<vmem>>) offsets(%dma_start3A_131 : memref<64xi32, #tpu.memory_space<vmem>>) semaphore(%arg21 : memref<!tpu.dma_semaphore, #tpu.memory_space<semaphore_mem>>)
      %dma_wait3A_135 = arith.constant 0 : i32
      %dma_wait3A_136 = arith.constant 0 : i32
      %dma_wait3A_137 = tpu.memref_slice %arg5[%scan3A, %dma_wait3A_135, %dma_wait3A_136] : memref<1x100001x128xf32, #tpu.memory_space<hbm>> -> memref<1x100001x128xf32, #tpu.memory_space<hbm>>
      %dma_wait3A_138 = tpu.memref_squeeze %dma_wait3A_137 : memref<1x100001x128xf32, #tpu.memory_space<hbm>> -> memref<100001x128xf32, #tpu.memory_space<hbm>>
      %dma_wait3A_139 = arith.constant 0 : i32
      %dma_wait3A_140 = arith.constant 0 : i32
      %dma_wait3A_141 = tpu.memref_slice %dma_wait3A_138[%dma_wait3A_139, %dma_wait3A_140] : memref<100001x128xf32, #tpu.memory_space<hbm>> -> memref<64x128xf32, #tpu.memory_space<hbm>>
      %dma_wait3A_142 = arith.constant 0 : i32
      %dma_wait3A_143 = arith.constant 0 : i32
      %dma_wait3A_144 = tpu.memref_slice %arg5[%scan3A, %dma_wait3A_142, %dma_wait3A_143] : memref<1x100001x128xf32, #tpu.memory_space<hbm>> -> memref<1x100001x128xf32, #tpu.memory_space<hbm>>
      %dma_wait3A_145 = tpu.memref_squeeze %dma_wait3A_144 : memref<1x100001x128xf32, #tpu.memory_space<hbm>> -> memref<100001x128xf32, #tpu.memory_space<hbm>>
      %dma_wait3A_146 = arith.constant 0 : i32
      %dma_wait3A_147 = arith.constant 0 : i32
      %dma_wait3A_148 = tpu.memref_slice %dma_wait3A_145[%dma_wait3A_146, %dma_wait3A_147] : memref<100001x128xf32, #tpu.memory_space<hbm>> -> memref<64x128xf32, #tpu.memory_space<hbm>>
      tpu.wait_dma2 semaphore(%arg20 : memref<!tpu.dma_semaphore, #tpu.memory_space<semaphore_mem>>) src(%dma_wait3A_148 : memref<64x128xf32, #tpu.memory_space<hbm>>) dst(%arg14 : memref<64x128xf32, #tpu.memory_space<vmem>>)
      %dma_wait3A_149 = arith.constant 0 : i32
      %dma_wait3A_150 = arith.constant 0 : i32
      %dma_wait3A_151 = tpu.memref_slice %arg6[%dma_wait3A_149, %dma_wait3A_150] : memref<65536x128xf32, #tpu.memory_space<hbm>> -> memref<64x128xf32, #tpu.memory_space<hbm>>
      %dma_wait3A_152 = arith.constant 0 : i32
      %dma_wait3A_153 = arith.constant 0 : i32
      %dma_wait3A_154 = tpu.memref_slice %arg6[%dma_wait3A_152, %dma_wait3A_153] : memref<65536x128xf32, #tpu.memory_space<hbm>> -> memref<64x128xf32, #tpu.memory_space<hbm>>
      tpu.wait_dma2 semaphore(%arg20 : memref<!tpu.dma_semaphore, #tpu.memory_space<semaphore_mem>>) src(%dma_wait3A_154 : memref<64x128xf32, #tpu.memory_space<hbm>>) dst(%arg15 : memref<64x128xf32, #tpu.memory_space<vmem>>)
      %dma_wait3A_155 = arith.constant 0 : i32
      %dma_wait3A_156 = arith.constant 0 : i32
      %dma_wait3A_157 = tpu.memref_slice %arg7[%dma_wait3A_155, %dma_wait3A_156] : memref<65536x128xf32, #tpu.memory_space<hbm>> -> memref<64x128xf32, #tpu.memory_space<hbm>>
      %dma_wait3A_158 = arith.constant 0 : i32
      %dma_wait3A_159 = arith.constant 0 : i32
      %dma_wait3A_160 = tpu.memref_slice %arg7[%dma_wait3A_158, %dma_wait3A_159] : memref<65536x128xf32, #tpu.memory_space<hbm>> -> memref<64x128xf32, #tpu.memory_space<hbm>>
      tpu.wait_dma2 semaphore(%arg20 : memref<!tpu.dma_semaphore, #tpu.memory_space<semaphore_mem>>) src(%dma_wait3A_160 : memref<64x128xf32, #tpu.memory_space<hbm>>) dst(%arg16 : memref<64x128xf32, #tpu.memory_space<vmem>>)
      %mul3A_161 = arith.constant 64 : i32
      %mul3A_162 = arith.muli %mul3A_110, %mul3A_161 : i32
      %add3A_163 = arith.addi %mul3A_6, %mul3A_162 : i32
      "tpu.region"() ({
        %run_scoped3A = tpu.sem_alloc : memref<!tpu.dma_semaphore, #tpu.memory_space<semaphore_mem>>
        %dma_start3A_219 = arith.constant 0 : i32
        %dma_start3A_220 = tpu.memref_slice %arg8[%add3A_163, %dma_start3A_219] : memref<102400x128xf32, #tpu.memory_space<hbm>> -> memref<64x128xf32, #tpu.memory_space<hbm>>
        %dma_start3A_221 = arith.constant 0 : i32
        %dma_start3A_222 = tpu.memref_slice %arg8[%add3A_163, %dma_start3A_221] : memref<102400x128xf32, #tpu.memory_space<hbm>> -> memref<64x128xf32, #tpu.memory_space<hbm>>
        tpu.enqueue_dma source(%arg14 : memref<64x128xf32, #tpu.memory_space<vmem>>) target(%dma_start3A_222 : memref<64x128xf32, #tpu.memory_space<hbm>>) target_semaphore(%run_scoped3A : memref<!tpu.dma_semaphore, #tpu.memory_space<semaphore_mem>>)
        %dma_wait3A_223 = arith.constant 0 : i32
        %dma_wait3A_224 = tpu.memref_slice %arg8[%add3A_163, %dma_wait3A_223] : memref<102400x128xf32, #tpu.memory_space<hbm>> -> memref<64x128xf32, #tpu.memory_space<hbm>>
        %dma_wait3A_225 = arith.constant 0 : i32
        %dma_wait3A_226 = tpu.memref_slice %arg8[%add3A_163, %dma_wait3A_225] : memref<102400x128xf32, #tpu.memory_space<hbm>> -> memref<64x128xf32, #tpu.memory_space<hbm>>
        tpu.wait_dma2 semaphore(%run_scoped3A : memref<!tpu.dma_semaphore, #tpu.memory_space<semaphore_mem>>) src(%arg14 : memref<64x128xf32, #tpu.memory_space<vmem>>) dst(%dma_wait3A_226 : memref<64x128xf32, #tpu.memory_space<hbm>>)
        tpu.yield
      }) : () -> ()
      "tpu.region"() ({
        %run_scoped3A = tpu.sem_alloc : memref<!tpu.dma_semaphore, #tpu.memory_space<semaphore_mem>>
        %dma_start3A_219 = arith.constant 0 : i32
        %dma_start3A_220 = tpu.memref_slice %arg9[%add3A_163, %dma_start3A_219] : memref<102400x128xf32, #tpu.memory_space<hbm>> -> memref<64x128xf32, #tpu.memory_space<hbm>>
        %dma_start3A_221 = arith.constant 0 : i32
        %dma_start3A_222 = tpu.memref_slice %arg9[%add3A_163, %dma_start3A_221] : memref<102400x128xf32, #tpu.memory_space<hbm>> -> memref<64x128xf32, #tpu.memory_space<hbm>>
        tpu.enqueue_dma source(%arg15 : memref<64x128xf32, #tpu.memory_space<vmem>>) target(%dma_start3A_222 : memref<64x128xf32, #tpu.memory_space<hbm>>) target_semaphore(%run_scoped3A : memref<!tpu.dma_semaphore, #tpu.memory_space<semaphore_mem>>)
        %dma_wait3A_223 = arith.constant 0 : i32
        %dma_wait3A_224 = tpu.memref_slice %arg9[%add3A_163, %dma_wait3A_223] : memref<102400x128xf32, #tpu.memory_space<hbm>> -> memref<64x128xf32, #tpu.memory_space<hbm>>
        %dma_wait3A_225 = arith.constant 0 : i32
        %dma_wait3A_226 = tpu.memref_slice %arg9[%add3A_163, %dma_wait3A_225] : memref<102400x128xf32, #tpu.memory_space<hbm>> -> memref<64x128xf32, #tpu.memory_space<hbm>>
        tpu.wait_dma2 semaphore(%run_scoped3A : memref<!tpu.dma_semaphore, #tpu.memory_space<semaphore_mem>>) src(%arg15 : memref<64x128xf32, #tpu.memory_space<vmem>>) dst(%dma_wait3A_226 : memref<64x128xf32, #tpu.memory_space<hbm>>)
        tpu.yield
      }) : () -> ()
      "tpu.region"() ({
        %run_scoped3A = tpu.sem_alloc : memref<!tpu.dma_semaphore, #tpu.memory_space<semaphore_mem>>
        %dma_start3A_219 = arith.constant 0 : i32
        %dma_start3A_220 = tpu.memref_slice %arg10[%add3A_163, %dma_start3A_219] : memref<102400x128xf32, #tpu.memory_space<hbm>> -> memref<64x128xf32, #tpu.memory_space<hbm>>
        %dma_start3A_221 = arith.constant 0 : i32
        %dma_start3A_222 = tpu.memref_slice %arg10[%add3A_163, %dma_start3A_221] : memref<102400x128xf32, #tpu.memory_space<hbm>> -> memref<64x128xf32, #tpu.memory_space<hbm>>
        tpu.enqueue_dma source(%arg16 : memref<64x128xf32, #tpu.memory_space<vmem>>) target(%dma_start3A_222 : memref<64x128xf32, #tpu.memory_space<hbm>>) target_semaphore(%run_scoped3A : memref<!tpu.dma_semaphore, #tpu.memory_space<semaphore_mem>>)
        %dma_wait3A_223 = arith.constant 0 : i32
        %dma_wait3A_224 = tpu.memref_slice %arg10[%add3A_163, %dma_wait3A_223] : memref<102400x128xf32, #tpu.memory_space<hbm>> -> memref<64x128xf32, #tpu.memory_space<hbm>>
        %dma_wait3A_225 = arith.constant 0 : i32
        %dma_wait3A_226 = tpu.memref_slice %arg10[%add3A_163, %dma_wait3A_225] : memref<102400x128xf32, #tpu.memory_space<hbm>> -> memref<64x128xf32, #tpu.memory_space<hbm>>
        tpu.wait_dma2 semaphore(%run_scoped3A : memref<!tpu.dma_semaphore, #tpu.memory_space<semaphore_mem>>) src(%arg16 : memref<64x128xf32, #tpu.memory_space<vmem>>) dst(%dma_wait3A_226 : memref<64x128xf32, #tpu.memory_space<hbm>>)
        tpu.yield
      }) : () -> ()
      %add3A_164 = arith.constant 2 : i32
      %add3A_165 = arith.addi %mul3A_110, %add3A_164 : i32
      %mul3A_166 = arith.constant 64 : i32
      %mul3A_167 = arith.muli %add3A_165, %mul3A_166 : i32
      %dma_start3A_168 = tpu.memref_slice %arg11[%mul3A_167] : memref<3200xi32, #tpu.memory_space<vmem>> -> memref<64xi32, #tpu.memory_space<vmem>>
      %dma_start3A_169 = arith.constant 0 : i32
      %dma_start3A_170 = arith.constant 0 : i32
      %dma_start3A_171 = tpu.memref_slice %arg5[%scan3A, %dma_start3A_169, %dma_start3A_170] : memref<1x100001x128xf32, #tpu.memory_space<hbm>> -> memref<1x100001x128xf32, #tpu.memory_space<hbm>>
      %dma_start3A_172 = tpu.memref_squeeze %dma_start3A_171 : memref<1x100001x128xf32, #tpu.memory_space<hbm>> -> memref<100001x128xf32, #tpu.memory_space<hbm>>
      %dma_start3A_173 = arith.constant 0 : i32
      %dma_start3A_174 = arith.constant 0 : i32
      %dma_start3A_175 = tpu.memref_slice %dma_start3A_172[%dma_start3A_173, %dma_start3A_174] : memref<100001x128xf32, #tpu.memory_space<hbm>> -> memref<100001x128xf32, #tpu.memory_space<hbm>>
      tpu.enqueue_indirect_dma source(%dma_start3A_175 : memref<100001x128xf32, #tpu.memory_space<hbm>>) target(%arg14 : memref<64x128xf32, #tpu.memory_space<vmem>>) offsets(%dma_start3A_168 : memref<64xi32, #tpu.memory_space<vmem>>) semaphore(%arg20 : memref<!tpu.dma_semaphore, #tpu.memory_space<semaphore_mem>>)
      %mul3A_176 = arith.constant 64 : i32
      %mul3A_177 = arith.muli %add3A_165, %mul3A_176 : i32
      %dma_start3A_178 = tpu.memref_slice %arg12[%mul3A_177] : memref<3200xi32, #tpu.memory_space<vmem>> -> memref<64xi32, #tpu.memory_space<vmem>>
      %dma_start3A_179 = arith.constant 0 : i32
      %dma_start3A_180 = arith.constant 0 : i32
      %dma_start3A_181 = tpu.memref_slice %arg6[%dma_start3A_179, %dma_start3A_180] : memref<65536x128xf32, #tpu.memory_space<hbm>> -> memref<65536x128xf32, #tpu.memory_space<hbm>>
      tpu.enqueue_indirect_dma source(%dma_start3A_181 : memref<65536x128xf32, #tpu.memory_space<hbm>>) target(%arg15 : memref<64x128xf32, #tpu.memory_space<vmem>>) offsets(%dma_start3A_178 : memref<64xi32, #tpu.memory_space<vmem>>) semaphore(%arg20 : memref<!tpu.dma_semaphore, #tpu.memory_space<semaphore_mem>>)
      %mul3A_182 = arith.constant 64 : i32
      %mul3A_183 = arith.muli %add3A_165, %mul3A_182 : i32
      %dma_start3A_184 = tpu.memref_slice %arg13[%mul3A_183] : memref<3200xi32, #tpu.memory_space<vmem>> -> memref<64xi32, #tpu.memory_space<vmem>>
      %dma_start3A_185 = arith.constant 0 : i32
      %dma_start3A_186 = arith.constant 0 : i32
      %dma_start3A_187 = tpu.memref_slice %arg7[%dma_start3A_185, %dma_start3A_186] : memref<65536x128xf32, #tpu.memory_space<hbm>> -> memref<65536x128xf32, #tpu.memory_space<hbm>>
      tpu.enqueue_indirect_dma source(%dma_start3A_187 : memref<65536x128xf32, #tpu.memory_space<hbm>>) target(%arg16 : memref<64x128xf32, #tpu.memory_space<vmem>>) offsets(%dma_start3A_184 : memref<64xi32, #tpu.memory_space<vmem>>) semaphore(%arg20 : memref<!tpu.dma_semaphore, #tpu.memory_space<semaphore_mem>>)
      %dma_wait3A_188 = arith.constant 0 : i32
      %dma_wait3A_189 = arith.constant 0 : i32
      %dma_wait3A_190 = tpu.memref_slice %arg5[%scan3A, %dma_wait3A_188, %dma_wait3A_189] : memref<1x100001x128xf32, #tpu.memory_space<hbm>> -> memref<1x100001x128xf32, #tpu.memory_space<hbm>>
      %dma_wait3A_191 = tpu.memref_squeeze %dma_wait3A_190 : memref<1x100001x128xf32, #tpu.memory_space<hbm>> -> memref<100001x128xf32, #tpu.memory_space<hbm>>
      %dma_wait3A_192 = arith.constant 0 : i32
      %dma_wait3A_193 = arith.constant 0 : i32
      %dma_wait3A_194 = tpu.memref_slice %dma_wait3A_191[%dma_wait3A_192, %dma_wait3A_193] : memref<100001x128xf32, #tpu.memory_space<hbm>> -> memref<64x128xf32, #tpu.memory_space<hbm>>
      %dma_wait3A_195 = arith.constant 0 : i32
      %dma_wait3A_196 = arith.constant 0 : i32
      %dma_wait3A_197 = tpu.memref_slice %arg5[%scan3A, %dma_wait3A_195, %dma_wait3A_196] : memref<1x100001x128xf32, #tpu.memory_space<hbm>> -> memref<1x100001x128xf32, #tpu.memory_space<hbm>>
      %dma_wait3A_198 = tpu.memref_squeeze %dma_wait3A_197 : memref<1x100001x128xf32, #tpu.memory_space<hbm>> -> memref<100001x128xf32, #tpu.memory_space<hbm>>
      %dma_wait3A_199 = arith.constant 0 : i32
      %dma_wait3A_200 = arith.constant 0 : i32
      %dma_wait3A_201 = tpu.memref_slice %dma_wait3A_198[%dma_wait3A_199, %dma_wait3A_200] : memref<100001x128xf32, #tpu.memory_space<hbm>> -> memref<64x128xf32, #tpu.memory_space<hbm>>
      tpu.wait_dma2 semaphore(%arg21 : memref<!tpu.dma_semaphore, #tpu.memory_space<semaphore_mem>>) src(%dma_wait3A_201 : memref<64x128xf32, #tpu.memory_space<hbm>>) dst(%arg17 : memref<64x128xf32, #tpu.memory_space<vmem>>)
      %dma_wait3A_202 = arith.constant 0 : i32
      %dma_wait3A_203 = arith.constant 0 : i32
      %dma_wait3A_204 = tpu.memref_slice %arg6[%dma_wait3A_202, %dma_wait3A_203] : memref<65536x128xf32, #tpu.memory_space<hbm>> -> memref<64x128xf32, #tpu.memory_space<hbm>>
      %dma_wait3A_205 = arith.constant 0 : i32
      %dma_wait3A_206 = arith.constant 0 : i32
      %dma_wait3A_207 = tpu.memref_slice %arg6[%dma_wait3A_205, %dma_wait3A_206] : memref<65536x128xf32, #tpu.memory_space<hbm>> -> memref<64x128xf32, #tpu.memory_space<hbm>>
      tpu.wait_dma2 semaphore(%arg21 : memref<!tpu.dma_semaphore, #tpu.memory_space<semaphore_mem>>) src(%dma_wait3A_207 : memref<64x128xf32, #tpu.memory_space<hbm>>) dst(%arg18 : memref<64x128xf32, #tpu.memory_space<vmem>>)
      %dma_wait3A_208 = arith.constant 0 : i32
      %dma_wait3A_209 = arith.constant 0 : i32
      %dma_wait3A_210 = tpu.memref_slice %arg7[%dma_wait3A_208, %dma_wait3A_209] : memref<65536x128xf32, #tpu.memory_space<hbm>> -> memref<64x128xf32, #tpu.memory_space<hbm>>
      %dma_wait3A_211 = arith.constant 0 : i32
      %dma_wait3A_212 = arith.constant 0 : i32
      %dma_wait3A_213 = tpu.memref_slice %arg7[%dma_wait3A_211, %dma_wait3A_212] : memref<65536x128xf32, #tpu.memory_space<hbm>> -> memref<64x128xf32, #tpu.memory_space<hbm>>
      tpu.wait_dma2 semaphore(%arg21 : memref<!tpu.dma_semaphore, #tpu.memory_space<semaphore_mem>>) src(%dma_wait3A_213 : memref<64x128xf32, #tpu.memory_space<hbm>>) dst(%arg19 : memref<64x128xf32, #tpu.memory_space<vmem>>)
      %add3A_214 = arith.constant 1 : i32
      %add3A_215 = arith.addi %mul3A_110, %add3A_214 : i32
      %mul3A_216 = arith.constant 64 : i32
      %mul3A_217 = arith.muli %add3A_215, %mul3A_216 : i32
      %add3A_218 = arith.addi %mul3A_6, %mul3A_217 : i32
      "tpu.region"() ({
        %run_scoped3A = tpu.sem_alloc : memref<!tpu.dma_semaphore, #tpu.memory_space<semaphore_mem>>
        %dma_start3A_219 = arith.constant 0 : i32
        %dma_start3A_220 = tpu.memref_slice %arg8[%add3A_218, %dma_start3A_219] : memref<102400x128xf32, #tpu.memory_space<hbm>> -> memref<64x128xf32, #tpu.memory_space<hbm>>
        %dma_start3A_221 = arith.constant 0 : i32
        %dma_start3A_222 = tpu.memref_slice %arg8[%add3A_218, %dma_start3A_221] : memref<102400x128xf32, #tpu.memory_space<hbm>> -> memref<64x128xf32, #tpu.memory_space<hbm>>
        tpu.enqueue_dma source(%arg17 : memref<64x128xf32, #tpu.memory_space<vmem>>) target(%dma_start3A_222 : memref<64x128xf32, #tpu.memory_space<hbm>>) target_semaphore(%run_scoped3A : memref<!tpu.dma_semaphore, #tpu.memory_space<semaphore_mem>>)
        %dma_wait3A_223 = arith.constant 0 : i32
        %dma_wait3A_224 = tpu.memref_slice %arg8[%add3A_218, %dma_wait3A_223] : memref<102400x128xf32, #tpu.memory_space<hbm>> -> memref<64x128xf32, #tpu.memory_space<hbm>>
        %dma_wait3A_225 = arith.constant 0 : i32
        %dma_wait3A_226 = tpu.memref_slice %arg8[%add3A_218, %dma_wait3A_225] : memref<102400x128xf32, #tpu.memory_space<hbm>> -> memref<64x128xf32, #tpu.memory_space<hbm>>
        tpu.wait_dma2 semaphore(%run_scoped3A : memref<!tpu.dma_semaphore, #tpu.memory_space<semaphore_mem>>) src(%arg17 : memref<64x128xf32, #tpu.memory_space<vmem>>) dst(%dma_wait3A_226 : memref<64x128xf32, #tpu.memory_space<hbm>>)
        tpu.yield
      }) : () -> ()
      "tpu.region"() ({
        %run_scoped3A = tpu.sem_alloc : memref<!tpu.dma_semaphore, #tpu.memory_space<semaphore_mem>>
        %dma_start3A_219 = arith.constant 0 : i32
        %dma_start3A_220 = tpu.memref_slice %arg9[%add3A_218, %dma_start3A_219] : memref<102400x128xf32, #tpu.memory_space<hbm>> -> memref<64x128xf32, #tpu.memory_space<hbm>>
        %dma_start3A_221 = arith.constant 0 : i32
        %dma_start3A_222 = tpu.memref_slice %arg9[%add3A_218, %dma_start3A_221] : memref<102400x128xf32, #tpu.memory_space<hbm>> -> memref<64x128xf32, #tpu.memory_space<hbm>>
        tpu.enqueue_dma source(%arg18 : memref<64x128xf32, #tpu.memory_space<vmem>>) target(%dma_start3A_222 : memref<64x128xf32, #tpu.memory_space<hbm>>) target_semaphore(%run_scoped3A : memref<!tpu.dma_semaphore, #tpu.memory_space<semaphore_mem>>)
        %dma_wait3A_223 = arith.constant 0 : i32
        %dma_wait3A_224 = tpu.memref_slice %arg9[%add3A_218, %dma_wait3A_223] : memref<102400x128xf32, #tpu.memory_space<hbm>> -> memref<64x128xf32, #tpu.memory_space<hbm>>
        %dma_wait3A_225 = arith.constant 0 : i32
        %dma_wait3A_226 = tpu.memref_slice %arg9[%add3A_218, %dma_wait3A_225] : memref<102400x128xf32, #tpu.memory_space<hbm>> -> memref<64x128xf32, #tpu.memory_space<hbm>>
        tpu.wait_dma2 semaphore(%run_scoped3A : memref<!tpu.dma_semaphore, #tpu.memory_space<semaphore_mem>>) src(%arg18 : memref<64x128xf32, #tpu.memory_space<vmem>>) dst(%dma_wait3A_226 : memref<64x128xf32, #tpu.memory_space<hbm>>)
        tpu.yield
      }) : () -> ()
      "tpu.region"() ({
        %run_scoped3A = tpu.sem_alloc : memref<!tpu.dma_semaphore, #tpu.memory_space<semaphore_mem>>
        %dma_start3A_219 = arith.constant 0 : i32
        %dma_start3A_220 = tpu.memref_slice %arg10[%add3A_218, %dma_start3A_219] : memref<102400x128xf32, #tpu.memory_space<hbm>> -> memref<64x128xf32, #tpu.memory_space<hbm>>
        %dma_start3A_221 = arith.constant 0 : i32
        %dma_start3A_222 = tpu.memref_slice %arg10[%add3A_218, %dma_start3A_221] : memref<102400x128xf32, #tpu.memory_space<hbm>> -> memref<64x128xf32, #tpu.memory_space<hbm>>
        tpu.enqueue_dma source(%arg19 : memref<64x128xf32, #tpu.memory_space<vmem>>) target(%dma_start3A_222 : memref<64x128xf32, #tpu.memory_space<hbm>>) target_semaphore(%run_scoped3A : memref<!tpu.dma_semaphore, #tpu.memory_space<semaphore_mem>>)
        %dma_wait3A_223 = arith.constant 0 : i32
        %dma_wait3A_224 = tpu.memref_slice %arg10[%add3A_218, %dma_wait3A_223] : memref<102400x128xf32, #tpu.memory_space<hbm>> -> memref<64x128xf32, #tpu.memory_space<hbm>>
        %dma_wait3A_225 = arith.constant 0 : i32
        %dma_wait3A_226 = tpu.memref_slice %arg10[%add3A_218, %dma_wait3A_225] : memref<102400x128xf32, #tpu.memory_space<hbm>> -> memref<64x128xf32, #tpu.memory_space<hbm>>
        tpu.wait_dma2 semaphore(%run_scoped3A : memref<!tpu.dma_semaphore, #tpu.memory_space<semaphore_mem>>) src(%arg19 : memref<64x128xf32, #tpu.memory_space<vmem>>) dst(%dma_wait3A_226 : memref<64x128xf32, #tpu.memory_space<hbm>>)
        tpu.yield
      }) : () -> ()
    }
    %scan3A_30 = arith.constant 24 : i32
    %dma_start3A_31 = arith.constant 0 : i32
    %dma_start3A_32 = arith.constant 3136 : i32
    %dma_start3A_33 = tpu.memref_slice %arg11[%dma_start3A_32] : memref<3200xi32, #tpu.memory_space<vmem>> -> memref<64xi32, #tpu.memory_space<vmem>>
    %dma_start3A_34 = arith.constant 0 : i32
    %dma_start3A_35 = arith.constant 0 : i32
    %dma_start3A_36 = tpu.memref_slice %arg5[%dma_start3A_31, %dma_start3A_34, %dma_start3A_35] : memref<1x100001x128xf32, #tpu.memory_space<hbm>> -> memref<1x100001x128xf32, #tpu.memory_space<hbm>>
    %dma_start3A_37 = tpu.memref_squeeze %dma_start3A_36 : memref<1x100001x128xf32, #tpu.memory_space<hbm>> -> memref<100001x128xf32, #tpu.memory_space<hbm>>
    %dma_start3A_38 = arith.constant 0 : i32
    %dma_start3A_39 = arith.constant 0 : i32
    %dma_start3A_40 = tpu.memref_slice %dma_start3A_37[%dma_start3A_38, %dma_start3A_39] : memref<100001x128xf32, #tpu.memory_space<hbm>> -> memref<100001x128xf32, #tpu.memory_space<hbm>>
    tpu.enqueue_indirect_dma source(%dma_start3A_40 : memref<100001x128xf32, #tpu.memory_space<hbm>>) target(%arg17 : memref<64x128xf32, #tpu.memory_space<vmem>>) offsets(%dma_start3A_33 : memref<64xi32, #tpu.memory_space<vmem>>) semaphore(%arg21 : memref<!tpu.dma_semaphore, #tpu.memory_space<semaphore_mem>>)
    %dma_start3A_41 = arith.constant 3136 : i32
    %dma_start3A_42 = tpu.memref_slice %arg12[%dma_start3A_41] : memref<3200xi32, #tpu.memory_space<vmem>> -> memref<64xi32, #tpu.memory_space<vmem>>
    %dma_start3A_43 = arith.constant 0 : i32
    %dma_start3A_44 = arith.constant 0 : i32
    %dma_start3A_45 = tpu.memref_slice %arg6[%dma_start3A_43, %dma_start3A_44] : memref<65536x128xf32, #tpu.memory_space<hbm>> -> memref<65536x128xf32, #tpu.memory_space<hbm>>
    tpu.enqueue_indirect_dma source(%dma_start3A_45 : memref<65536x128xf32, #tpu.memory_space<hbm>>) target(%arg18 : memref<64x128xf32, #tpu.memory_space<vmem>>) offsets(%dma_start3A_42 : memref<64xi32, #tpu.memory_space<vmem>>) semaphore(%arg21 : memref<!tpu.dma_semaphore, #tpu.memory_space<semaphore_mem>>)
    %dma_start3A_46 = arith.constant 3136 : i32
    %dma_start3A_47 = tpu.memref_slice %arg13[%dma_start3A_46] : memref<3200xi32, #tpu.memory_space<vmem>> -> memref<64xi32, #tpu.memory_space<vmem>>
    %dma_start3A_48 = arith.constant 0 : i32
    %dma_start3A_49 = arith.constant 0 : i32
    %dma_start3A_50 = tpu.memref_slice %arg7[%dma_start3A_48, %dma_start3A_49] : memref<65536x128xf32, #tpu.memory_space<hbm>> -> memref<65536x128xf32, #tpu.memory_space<hbm>>
    tpu.enqueue_indirect_dma source(%dma_start3A_50 : memref<65536x128xf32, #tpu.memory_space<hbm>>) target(%arg19 : memref<64x128xf32, #tpu.memory_space<vmem>>) offsets(%dma_start3A_47 : memref<64xi32, #tpu.memory_space<vmem>>) semaphore(%arg21 : memref<!tpu.dma_semaphore, #tpu.memory_space<semaphore_mem>>)
    %dma_wait3A = arith.constant 0 : i32
    %dma_wait3A_51 = arith.constant 0 : i32
    %dma_wait3A_52 = arith.constant 0 : i32
    %dma_wait3A_53 = tpu.memref_slice %arg5[%dma_wait3A, %dma_wait3A_51, %dma_wait3A_52] : memref<1x100001x128xf32, #tpu.memory_space<hbm>> -> memref<1x100001x128xf32, #tpu.memory_space<hbm>>
    %dma_wait3A_54 = tpu.memref_squeeze %dma_wait3A_53 : memref<1x100001x128xf32, #tpu.memory_space<hbm>> -> memref<100001x128xf32, #tpu.memory_space<hbm>>
    %dma_wait3A_55 = arith.constant 0 : i32
    %dma_wait3A_56 = arith.constant 0 : i32
    %dma_wait3A_57 = tpu.memref_slice %dma_wait3A_54[%dma_wait3A_55, %dma_wait3A_56] : memref<100001x128xf32, #tpu.memory_space<hbm>> -> memref<64x128xf32, #tpu.memory_space<hbm>>
    %dma_wait3A_58 = arith.constant 0 : i32
    %dma_wait3A_59 = arith.constant 0 : i32
    %dma_wait3A_60 = tpu.memref_slice %arg5[%dma_wait3A, %dma_wait3A_58, %dma_wait3A_59] : memref<1x100001x128xf32, #tpu.memory_space<hbm>> -> memref<1x100001x128xf32, #tpu.memory_space<hbm>>
    %dma_wait3A_61 = tpu.memref_squeeze %dma_wait3A_60 : memref<1x100001x128xf32, #tpu.memory_space<hbm>> -> memref<100001x128xf32, #tpu.memory_space<hbm>>
    %dma_wait3A_62 = arith.constant 0 : i32
    %dma_wait3A_63 = arith.constant 0 : i32
    %dma_wait3A_64 = tpu.memref_slice %dma_wait3A_61[%dma_wait3A_62, %dma_wait3A_63] : memref<100001x128xf32, #tpu.memory_space<hbm>> -> memref<64x128xf32, #tpu.memory_space<hbm>>
    tpu.wait_dma2 semaphore(%arg20 : memref<!tpu.dma_semaphore, #tpu.memory_space<semaphore_mem>>) src(%dma_wait3A_64 : memref<64x128xf32, #tpu.memory_space<hbm>>) dst(%arg14 : memref<64x128xf32, #tpu.memory_space<vmem>>)
    %dma_wait3A_65 = arith.constant 0 : i32
    %dma_wait3A_66 = arith.constant 0 : i32
    %dma_wait3A_67 = tpu.memref_slice %arg6[%dma_wait3A_65, %dma_wait3A_66] : memref<65536x128xf32, #tpu.memory_space<hbm>> -> memref<64x128xf32, #tpu.memory_space<hbm>>
    %dma_wait3A_68 = arith.constant 0 : i32
    %dma_wait3A_69 = arith.constant 0 : i32
    %dma_wait3A_70 = tpu.memref_slice %arg6[%dma_wait3A_68, %dma_wait3A_69] : memref<65536x128xf32, #tpu.memory_space<hbm>> -> memref<64x128xf32, #tpu.memory_space<hbm>>
    tpu.wait_dma2 semaphore(%arg20 : memref<!tpu.dma_semaphore, #tpu.memory_space<semaphore_mem>>) src(%dma_wait3A_70 : memref<64x128xf32, #tpu.memory_space<hbm>>) dst(%arg15 : memref<64x128xf32, #tpu.memory_space<vmem>>)
    %dma_wait3A_71 = arith.constant 0 : i32
    %dma_wait3A_72 = arith.constant 0 : i32
    %dma_wait3A_73 = tpu.memref_slice %arg7[%dma_wait3A_71, %dma_wait3A_72] : memref<65536x128xf32, #tpu.memory_space<hbm>> -> memref<64x128xf32, #tpu.memory_space<hbm>>
    %dma_wait3A_74 = arith.constant 0 : i32
    %dma_wait3A_75 = arith.constant 0 : i32
    %dma_wait3A_76 = tpu.memref_slice %arg7[%dma_wait3A_74, %dma_wait3A_75] : memref<65536x128xf32, #tpu.memory_space<hbm>> -> memref<64x128xf32, #tpu.memory_space<hbm>>
    tpu.wait_dma2 semaphore(%arg20 : memref<!tpu.dma_semaphore, #tpu.memory_space<semaphore_mem>>) src(%dma_wait3A_76 : memref<64x128xf32, #tpu.memory_space<hbm>>) dst(%arg16 : memref<64x128xf32, #tpu.memory_space<vmem>>)
    %add3A_77 = arith.constant 3072 : i32
    %add3A_78 = arith.addi %mul3A_6, %add3A_77 : i32
    "tpu.region"() ({
      %run_scoped3A = tpu.sem_alloc : memref<!tpu.dma_semaphore, #tpu.memory_space<semaphore_mem>>
      %dma_start3A_108 = arith.constant 0 : i32
      %dma_start3A_109 = tpu.memref_slice %arg8[%add3A_78, %dma_start3A_108] : memref<102400x128xf32, #tpu.memory_space<hbm>> -> memref<64x128xf32, #tpu.memory_space<hbm>>
      %dma_start3A_110 = arith.constant 0 : i32
      %dma_start3A_111 = tpu.memref_slice %arg8[%add3A_78, %dma_start3A_110] : memref<102400x128xf32, #tpu.memory_space<hbm>> -> memref<64x128xf32, #tpu.memory_space<hbm>>
      tpu.enqueue_dma source(%arg14 : memref<64x128xf32, #tpu.memory_space<vmem>>) target(%dma_start3A_111 : memref<64x128xf32, #tpu.memory_space<hbm>>) target_semaphore(%run_scoped3A : memref<!tpu.dma_semaphore, #tpu.memory_space<semaphore_mem>>)
      %dma_wait3A_112 = arith.constant 0 : i32
      %dma_wait3A_113 = tpu.memref_slice %arg8[%add3A_78, %dma_wait3A_112] : memref<102400x128xf32, #tpu.memory_space<hbm>> -> memref<64x128xf32, #tpu.memory_space<hbm>>
      %dma_wait3A_114 = arith.constant 0 : i32
      %dma_wait3A_115 = tpu.memref_slice %arg8[%add3A_78, %dma_wait3A_114] : memref<102400x128xf32, #tpu.memory_space<hbm>> -> memref<64x128xf32, #tpu.memory_space<hbm>>
      tpu.wait_dma2 semaphore(%run_scoped3A : memref<!tpu.dma_semaphore, #tpu.memory_space<semaphore_mem>>) src(%arg14 : memref<64x128xf32, #tpu.memory_space<vmem>>) dst(%dma_wait3A_115 : memref<64x128xf32, #tpu.memory_space<hbm>>)
      tpu.yield
    }) : () -> ()
    "tpu.region"() ({
      %run_scoped3A = tpu.sem_alloc : memref<!tpu.dma_semaphore, #tpu.memory_space<semaphore_mem>>
      %dma_start3A_108 = arith.constant 0 : i32
      %dma_start3A_109 = tpu.memref_slice %arg9[%add3A_78, %dma_start3A_108] : memref<102400x128xf32, #tpu.memory_space<hbm>> -> memref<64x128xf32, #tpu.memory_space<hbm>>
      %dma_start3A_110 = arith.constant 0 : i32
      %dma_start3A_111 = tpu.memref_slice %arg9[%add3A_78, %dma_start3A_110] : memref<102400x128xf32, #tpu.memory_space<hbm>> -> memref<64x128xf32, #tpu.memory_space<hbm>>
      tpu.enqueue_dma source(%arg15 : memref<64x128xf32, #tpu.memory_space<vmem>>) target(%dma_start3A_111 : memref<64x128xf32, #tpu.memory_space<hbm>>) target_semaphore(%run_scoped3A : memref<!tpu.dma_semaphore, #tpu.memory_space<semaphore_mem>>)
      %dma_wait3A_112 = arith.constant 0 : i32
      %dma_wait3A_113 = tpu.memref_slice %arg9[%add3A_78, %dma_wait3A_112] : memref<102400x128xf32, #tpu.memory_space<hbm>> -> memref<64x128xf32, #tpu.memory_space<hbm>>
      %dma_wait3A_114 = arith.constant 0 : i32
      %dma_wait3A_115 = tpu.memref_slice %arg9[%add3A_78, %dma_wait3A_114] : memref<102400x128xf32, #tpu.memory_space<hbm>> -> memref<64x128xf32, #tpu.memory_space<hbm>>
      tpu.wait_dma2 semaphore(%run_scoped3A : memref<!tpu.dma_semaphore, #tpu.memory_space<semaphore_mem>>) src(%arg15 : memref<64x128xf32, #tpu.memory_space<vmem>>) dst(%dma_wait3A_115 : memref<64x128xf32, #tpu.memory_space<hbm>>)
      tpu.yield
    }) : () -> ()
    "tpu.region"() ({
      %run_scoped3A = tpu.sem_alloc : memref<!tpu.dma_semaphore, #tpu.memory_space<semaphore_mem>>
      %dma_start3A_108 = arith.constant 0 : i32
      %dma_start3A_109 = tpu.memref_slice %arg10[%add3A_78, %dma_start3A_108] : memref<102400x128xf32, #tpu.memory_space<hbm>> -> memref<64x128xf32, #tpu.memory_space<hbm>>
      %dma_start3A_110 = arith.constant 0 : i32
      %dma_start3A_111 = tpu.memref_slice %arg10[%add3A_78, %dma_start3A_110] : memref<102400x128xf32, #tpu.memory_space<hbm>> -> memref<64x128xf32, #tpu.memory_space<hbm>>
      tpu.enqueue_dma source(%arg16 : memref<64x128xf32, #tpu.memory_space<vmem>>) target(%dma_start3A_111 : memref<64x128xf32, #tpu.memory_space<hbm>>) target_semaphore(%run_scoped3A : memref<!tpu.dma_semaphore, #tpu.memory_space<semaphore_mem>>)
      %dma_wait3A_112 = arith.constant 0 : i32
      %dma_wait3A_113 = tpu.memref_slice %arg10[%add3A_78, %dma_wait3A_112] : memref<102400x128xf32, #tpu.memory_space<hbm>> -> memref<64x128xf32, #tpu.memory_space<hbm>>
      %dma_wait3A_114 = arith.constant 0 : i32
      %dma_wait3A_115 = tpu.memref_slice %arg10[%add3A_78, %dma_wait3A_114] : memref<102400x128xf32, #tpu.memory_space<hbm>> -> memref<64x128xf32, #tpu.memory_space<hbm>>
      tpu.wait_dma2 semaphore(%run_scoped3A : memref<!tpu.dma_semaphore, #tpu.memory_space<semaphore_mem>>) src(%arg16 : memref<64x128xf32, #tpu.memory_space<vmem>>) dst(%dma_wait3A_115 : memref<64x128xf32, #tpu.memory_space<hbm>>)
      tpu.yield
    }) : () -> ()
    %dma_wait3A_79 = arith.constant 0 : i32
    %dma_wait3A_80 = arith.constant 0 : i32
    %dma_wait3A_81 = arith.constant 0 : i32
    %dma_wait3A_82 = tpu.memref_slice %arg5[%dma_wait3A_79, %dma_wait3A_80, %dma_wait3A_81] : memref<1x100001x128xf32, #tpu.memory_space<hbm>> -> memref<1x100001x128xf32, #tpu.memory_space<hbm>>
    %dma_wait3A_83 = tpu.memref_squeeze %dma_wait3A_82 : memref<1x100001x128xf32, #tpu.memory_space<hbm>> -> memref<100001x128xf32, #tpu.memory_space<hbm>>
    %dma_wait3A_84 = arith.constant 0 : i32
    %dma_wait3A_85 = arith.constant 0 : i32
    %dma_wait3A_86 = tpu.memref_slice %dma_wait3A_83[%dma_wait3A_84, %dma_wait3A_85] : memref<100001x128xf32, #tpu.memory_space<hbm>> -> memref<64x128xf32, #tpu.memory_space<hbm>>
    %dma_wait3A_87 = arith.constant 0 : i32
    %dma_wait3A_88 = arith.constant 0 : i32
    %dma_wait3A_89 = tpu.memref_slice %arg5[%dma_wait3A_79, %dma_wait3A_87, %dma_wait3A_88] : memref<1x100001x128xf32, #tpu.memory_space<hbm>> -> memref<1x100001x128xf32, #tpu.memory_space<hbm>>
    %dma_wait3A_90 = tpu.memref_squeeze %dma_wait3A_89 : memref<1x100001x128xf32, #tpu.memory_space<hbm>> -> memref<100001x128xf32, #tpu.memory_space<hbm>>
    %dma_wait3A_91 = arith.constant 0 : i32
    %dma_wait3A_92 = arith.constant 0 : i32
    %dma_wait3A_93 = tpu.memref_slice %dma_wait3A_90[%dma_wait3A_91, %dma_wait3A_92] : memref<100001x128xf32, #tpu.memory_space<hbm>> -> memref<64x128xf32, #tpu.memory_space<hbm>>
    tpu.wait_dma2 semaphore(%arg21 : memref<!tpu.dma_semaphore, #tpu.memory_space<semaphore_mem>>) src(%dma_wait3A_93 : memref<64x128xf32, #tpu.memory_space<hbm>>) dst(%arg17 : memref<64x128xf32, #tpu.memory_space<vmem>>)
    %dma_wait3A_94 = arith.constant 0 : i32
    %dma_wait3A_95 = arith.constant 0 : i32
    %dma_wait3A_96 = tpu.memref_slice %arg6[%dma_wait3A_94, %dma_wait3A_95] : memref<65536x128xf32, #tpu.memory_space<hbm>> -> memref<64x128xf32, #tpu.memory_space<hbm>>
    %dma_wait3A_97 = arith.constant 0 : i32
    %dma_wait3A_98 = arith.constant 0 : i32
    %dma_wait3A_99 = tpu.memref_slice %arg6[%dma_wait3A_97, %dma_wait3A_98] : memref<65536x128xf32, #tpu.memory_space<hbm>> -> memref<64x128xf32, #tpu.memory_space<hbm>>
    tpu.wait_dma2 semaphore(%arg21 : memref<!tpu.dma_semaphore, #tpu.memory_space<semaphore_mem>>) src(%dma_wait3A_99 : memref<64x128xf32, #tpu.memory_space<hbm>>) dst(%arg18 : memref<64x128xf32, #tpu.memory_space<vmem>>)
    %dma_wait3A_100 = arith.constant 0 : i32
    %dma_wait3A_101 = arith.constant 0 : i32
    %dma_wait3A_102 = tpu.memref_slice %arg7[%dma_wait3A_100, %dma_wait3A_101] : memref<65536x128xf32, #tpu.memory_space<hbm>> -> memref<64x128xf32, #tpu.memory_space<hbm>>
    %dma_wait3A_103 = arith.constant 0 : i32
    %dma_wait3A_104 = arith.constant 0 : i32
    %dma_wait3A_105 = tpu.memref_slice %arg7[%dma_wait3A_103, %dma_wait3A_104] : memref<65536x128xf32, #tpu.memory_space<hbm>> -> memref<64x128xf32, #tpu.memory_space<hbm>>
    tpu.wait_dma2 semaphore(%arg21 : memref<!tpu.dma_semaphore, #tpu.memory_space<semaphore_mem>>) src(%dma_wait3A_105 : memref<64x128xf32, #tpu.memory_space<hbm>>) dst(%arg19 : memref<64x128xf32, #tpu.memory_space<vmem>>)
    %add3A_106 = arith.constant 3136 : i32
    %add3A_107 = arith.addi %mul3A_6, %add3A_106 : i32
    "tpu.region"() ({
      %run_scoped3A = tpu.sem_alloc : memref<!tpu.dma_semaphore, #tpu.memory_space<semaphore_mem>>
      %dma_start3A_108 = arith.constant 0 : i32
      %dma_start3A_109 = tpu.memref_slice %arg8[%add3A_107, %dma_start3A_108] : memref<102400x128xf32, #tpu.memory_space<hbm>> -> memref<64x128xf32, #tpu.memory_space<hbm>>
      %dma_start3A_110 = arith.constant 0 : i32
      %dma_start3A_111 = tpu.memref_slice %arg8[%add3A_107, %dma_start3A_110] : memref<102400x128xf32, #tpu.memory_space<hbm>> -> memref<64x128xf32, #tpu.memory_space<hbm>>
      tpu.enqueue_dma source(%arg17 : memref<64x128xf32, #tpu.memory_space<vmem>>) target(%dma_start3A_111 : memref<64x128xf32, #tpu.memory_space<hbm>>) target_semaphore(%run_scoped3A : memref<!tpu.dma_semaphore, #tpu.memory_space<semaphore_mem>>)
      %dma_wait3A_112 = arith.constant 0 : i32
      %dma_wait3A_113 = tpu.memref_slice %arg8[%add3A_107, %dma_wait3A_112] : memref<102400x128xf32, #tpu.memory_space<hbm>> -> memref<64x128xf32, #tpu.memory_space<hbm>>
      %dma_wait3A_114 = arith.constant 0 : i32
      %dma_wait3A_115 = tpu.memref_slice %arg8[%add3A_107, %dma_wait3A_114] : memref<102400x128xf32, #tpu.memory_space<hbm>> -> memref<64x128xf32, #tpu.memory_space<hbm>>
      tpu.wait_dma2 semaphore(%run_scoped3A : memref<!tpu.dma_semaphore, #tpu.memory_space<semaphore_mem>>) src(%arg17 : memref<64x128xf32, #tpu.memory_space<vmem>>) dst(%dma_wait3A_115 : memref<64x128xf32, #tpu.memory_space<hbm>>)
      tpu.yield
    }) : () -> ()
    "tpu.region"() ({
      %run_scoped3A = tpu.sem_alloc : memref<!tpu.dma_semaphore, #tpu.memory_space<semaphore_mem>>
      %dma_start3A_108 = arith.constant 0 : i32
      %dma_start3A_109 = tpu.memref_slice %arg9[%add3A_107, %dma_start3A_108] : memref<102400x128xf32, #tpu.memory_space<hbm>> -> memref<64x128xf32, #tpu.memory_space<hbm>>
      %dma_start3A_110 = arith.constant 0 : i32
      %dma_start3A_111 = tpu.memref_slice %arg9[%add3A_107, %dma_start3A_110] : memref<102400x128xf32, #tpu.memory_space<hbm>> -> memref<64x128xf32, #tpu.memory_space<hbm>>
      tpu.enqueue_dma source(%arg18 : memref<64x128xf32, #tpu.memory_space<vmem>>) target(%dma_start3A_111 : memref<64x128xf32, #tpu.memory_space<hbm>>) target_semaphore(%run_scoped3A : memref<!tpu.dma_semaphore, #tpu.memory_space<semaphore_mem>>)
      %dma_wait3A_112 = arith.constant 0 : i32
      %dma_wait3A_113 = tpu.memref_slice %arg9[%add3A_107, %dma_wait3A_112] : memref<102400x128xf32, #tpu.memory_space<hbm>> -> memref<64x128xf32, #tpu.memory_space<hbm>>
      %dma_wait3A_114 = arith.constant 0 : i32
      %dma_wait3A_115 = tpu.memref_slice %arg9[%add3A_107, %dma_wait3A_114] : memref<102400x128xf32, #tpu.memory_space<hbm>> -> memref<64x128xf32, #tpu.memory_space<hbm>>
      tpu.wait_dma2 semaphore(%run_scoped3A : memref<!tpu.dma_semaphore, #tpu.memory_space<semaphore_mem>>) src(%arg18 : memref<64x128xf32, #tpu.memory_space<vmem>>) dst(%dma_wait3A_115 : memref<64x128xf32, #tpu.memory_space<hbm>>)
      tpu.yield
    }) : () -> ()
    "tpu.region"() ({
      %run_scoped3A = tpu.sem_alloc : memref<!tpu.dma_semaphore, #tpu.memory_space<semaphore_mem>>
      %dma_start3A_108 = arith.constant 0 : i32
      %dma_start3A_109 = tpu.memref_slice %arg10[%add3A_107, %dma_start3A_108] : memref<102400x128xf32, #tpu.memory_space<hbm>> -> memref<64x128xf32, #tpu.memory_space<hbm>>
      %dma_start3A_110 = arith.constant 0 : i32
      %dma_start3A_111 = tpu.memref_slice %arg10[%add3A_107, %dma_start3A_110] : memref<102400x128xf32, #tpu.memory_space<hbm>> -> memref<64x128xf32, #tpu.memory_space<hbm>>
      tpu.enqueue_dma source(%arg19 : memref<64x128xf32, #tpu.memory_space<vmem>>) target(%dma_start3A_111 : memref<64x128xf32, #tpu.memory_space<hbm>>) target_semaphore(%run_scoped3A : memref<!tpu.dma_semaphore, #tpu.memory_space<semaphore_mem>>)
      %dma_wait3A_112 = arith.constant 0 : i32
      %dma_wait3A_113 = tpu.memref_slice %arg10[%add3A_107, %dma_wait3A_112] : memref<102400x128xf32, #tpu.memory_space<hbm>> -> memref<64x128xf32, #tpu.memory_space<hbm>>
      %dma_wait3A_114 = arith.constant 0 : i32
      %dma_wait3A_115 = tpu.memref_slice %arg10[%add3A_107, %dma_wait3A_114] : memref<102400x128xf32, #tpu.memory_space<hbm>> -> memref<64x128xf32, #tpu.memory_space<hbm>>
      tpu.wait_dma2 semaphore(%run_scoped3A : memref<!tpu.dma_semaphore, #tpu.memory_space<semaphore_mem>>) src(%arg19 : memref<64x128xf32, #tpu.memory_space<vmem>>) dst(%dma_wait3A_115 : memref<64x128xf32, #tpu.memory_space<hbm>>)
      tpu.yield
    }) : () -> ()
    return
  }
}

#map = affine_map<(d0, d1) -> (0)>
#map1 = affine_map<(d0, d1) -> (0, 0, 0)>
#map2 = affine_map<(d0, d1) -> (0, 0)>
module attributes {stable_mosaic.version = 14 : i64} {
  func.func @body(%arg0: i32, %arg1: i32, %arg2: memref<204800xi32, #tpu.memory_space<hbm>>, %arg3: memref<204800xi32, #tpu.memory_space<hbm>>, %arg4: memref<204800xi32, #tpu.memory_space<hbm>>, %arg5: memref<1x100001x128xf32, #tpu.memory_space<hbm>>, %arg6: memref<65536x128xf32, #tpu.memory_space<hbm>>, %arg7: memref<65536x128xf32, #tpu.memory_space<hbm>>, %arg8: memref<102400x128xf32, #tpu.memory_space<hbm>>, %arg9: memref<102400x128xf32, #tpu.memory_space<hbm>>, %arg10: memref<102400x128xf32, #tpu.memory_space<hbm>>, %arg11: memref<3200xi32, #tpu.memory_space<vmem>>, %arg12: memref<3200xi32, #tpu.memory_space<vmem>>, %arg13: memref<3200xi32, #tpu.memory_space<vmem>>, %arg14: memref<64x128xf32, #tpu.memory_space<vmem>>, %arg15: memref<64x128xf32, #tpu.memory_space<vmem>>, %arg16: memref<64x128xf32, #tpu.memory_space<vmem>>, %arg17: memref<64x128xf32, #tpu.memory_space<vmem>>, %arg18: memref<64x128xf32, #tpu.memory_space<vmem>>, %arg19: memref<64x128xf32, #tpu.memory_space<vmem>>, %arg20: memref<!tpu.dma_semaphore, #tpu.memory_space<semaphore_mem>>, %arg21: memref<!tpu.dma_semaphore, #tpu.memory_space<semaphore_mem>>) attributes {dimension_semantics = [#tpu.dimension_semantics<core_parallel>, #tpu.dimension_semantics<subcore_parallel>], iteration_bounds = array<i64: 2, 16>, scalar_prefetch = 0 : i64, scratch_operands = 11 : i64, tpu.core_type = #tpu.core_type<sc_vector_subcore>, window_params = [{transform_indices = #map}, {transform_indices = #map}, {transform_indices = #map}, {transform_indices = #map1}, {transform_indices = #map2}, {transform_indices = #map2}, {transform_indices = #map2}, {transform_indices = #map2}, {transform_indices = #map2}]} {
    %mul3A = arith.constant 2 : i32
    %mul3A_0 = arith.muli %arg1, %mul3A : i32
    %add3A = arith.addi %mul3A_0, %arg0 : i32
    %mul3A_1 = arith.constant 3200 : i32
    %mul3A_2 = arith.muli %add3A, %mul3A_1 : i32
    %add3A_3 = arith.constant 102400 : i32
    %add3A_4 = arith.addi %add3A_3, %mul3A_2 : i32
    %mul3A_5 = arith.constant 3200 : i32
    %mul3A_6 = arith.muli %add3A, %mul3A_5 : i32
    "tpu.region"() ({
      %run_scoped3A = tpu.sem_alloc : memref<!tpu.dma_semaphore, #tpu.memory_space<semaphore_mem>>
      %dma_start3A_108 = tpu.memref_slice %arg2[%add3A_4] : memref<204800xi32, #tpu.memory_space<hbm>> -> memref<3200xi32, #tpu.memory_space<hbm>>
      %dma_start3A_109 = tpu.memref_slice %arg2[%add3A_4] : memref<204800xi32, #tpu.memory_space<hbm>> -> memref<3200xi32, #tpu.memory_space<hbm>>
      tpu.enqueue_dma source(%dma_start3A_109 : memref<3200xi32, #tpu.memory_space<hbm>>) target(%arg11 : memref<3200xi32, #tpu.memory_space<vmem>>) target_semaphore(%run_scoped3A : memref<!tpu.dma_semaphore, #tpu.memory_space<semaphore_mem>>)
      %dma_wait3A_110 = tpu.memref_slice %arg2[%add3A_4] : memref<204800xi32, #tpu.memory_space<hbm>> -> memref<3200xi32, #tpu.memory_space<hbm>>
      %dma_wait3A_111 = tpu.memref_slice %arg2[%add3A_4] : memref<204800xi32, #tpu.memory_space<hbm>> -> memref<3200xi32, #tpu.memory_space<hbm>>
      tpu.wait_dma2 semaphore(%run_scoped3A : memref<!tpu.dma_semaphore, #tpu.memory_space<semaphore_mem>>) src(%dma_wait3A_111 : memref<3200xi32, #tpu.memory_space<hbm>>) dst(%arg11 : memref<3200xi32, #tpu.memory_space<vmem>>)
      tpu.yield
    }) : () -> ()
    "tpu.region"() ({
      %run_scoped3A = tpu.sem_alloc : memref<!tpu.dma_semaphore, #tpu.memory_space<semaphore_mem>>
      %dma_start3A_108 = tpu.memref_slice %arg3[%add3A_4] : memref<204800xi32, #tpu.memory_space<hbm>> -> memref<3200xi32, #tpu.memory_space<hbm>>
      %dma_start3A_109 = tpu.memref_slice %arg3[%add3A_4] : memref<204800xi32, #tpu.memory_space<hbm>> -> memref<3200xi32, #tpu.memory_space<hbm>>
      tpu.enqueue_dma source(%dma_start3A_109 : memref<3200xi32, #tpu.memory_space<hbm>>) target(%arg12 : memref<3200xi32, #tpu.memory_space<vmem>>) target_semaphore(%run_scoped3A : memref<!tpu.dma_semaphore, #tpu.memory_space<semaphore_mem>>)
      %dma_wait3A_110 = tpu.memref_slice %arg3[%add3A_4] : memref<204800xi32, #tpu.memory_space<hbm>> -> memref<3200xi32, #tpu.memory_space<hbm>>
      %dma_wait3A_111 = tpu.memref_slice %arg3[%add3A_4] : memref<204800xi32, #tpu.memory_space<hbm>> -> memref<3200xi32, #tpu.memory_space<hbm>>
      tpu.wait_dma2 semaphore(%run_scoped3A : memref<!tpu.dma_semaphore, #tpu.memory_space<semaphore_mem>>) src(%dma_wait3A_111 : memref<3200xi32, #tpu.memory_space<hbm>>) dst(%arg12 : memref<3200xi32, #tpu.memory_space<vmem>>)
      tpu.yield
    }) : () -> ()
    "tpu.region"() ({
      %run_scoped3A = tpu.sem_alloc : memref<!tpu.dma_semaphore, #tpu.memory_space<semaphore_mem>>
      %dma_start3A_108 = tpu.memref_slice %arg4[%add3A_4] : memref<204800xi32, #tpu.memory_space<hbm>> -> memref<3200xi32, #tpu.memory_space<hbm>>
      %dma_start3A_109 = tpu.memref_slice %arg4[%add3A_4] : memref<204800xi32, #tpu.memory_space<hbm>> -> memref<3200xi32, #tpu.memory_space<hbm>>
      tpu.enqueue_dma source(%dma_start3A_109 : memref<3200xi32, #tpu.memory_space<hbm>>) target(%arg13 : memref<3200xi32, #tpu.memory_space<vmem>>) target_semaphore(%run_scoped3A : memref<!tpu.dma_semaphore, #tpu.memory_space<semaphore_mem>>)
      %dma_wait3A_110 = tpu.memref_slice %arg4[%add3A_4] : memref<204800xi32, #tpu.memory_space<hbm>> -> memref<3200xi32, #tpu.memory_space<hbm>>
      %dma_wait3A_111 = tpu.memref_slice %arg4[%add3A_4] : memref<204800xi32, #tpu.memory_space<hbm>> -> memref<3200xi32, #tpu.memory_space<hbm>>
      tpu.wait_dma2 semaphore(%run_scoped3A : memref<!tpu.dma_semaphore, #tpu.memory_space<semaphore_mem>>) src(%dma_wait3A_111 : memref<3200xi32, #tpu.memory_space<hbm>>) dst(%arg13 : memref<3200xi32, #tpu.memory_space<vmem>>)
      tpu.yield
    }) : () -> ()
    %dma_start3A = arith.constant 0 : i32
    %dma_start3A_7 = arith.constant 0 : i32
    %dma_start3A_8 = tpu.memref_slice %arg11[%dma_start3A_7] : memref<3200xi32, #tpu.memory_space<vmem>> -> memref<64xi32, #tpu.memory_space<vmem>>
    %dma_start3A_9 = arith.constant 0 : i32
    %dma_start3A_10 = arith.constant 0 : i32
    %dma_start3A_11 = tpu.memref_slice %arg5[%dma_start3A, %dma_start3A_9, %dma_start3A_10] : memref<1x100001x128xf32, #tpu.memory_space<hbm>> -> memref<1x100001x128xf32, #tpu.memory_space<hbm>>
    %dma_start3A_12 = tpu.memref_squeeze %dma_start3A_11 : memref<1x100001x128xf32, #tpu.memory_space<hbm>> -> memref<100001x128xf32, #tpu.memory_space<hbm>>
    %dma_start3A_13 = arith.constant 0 : i32
    %dma_start3A_14 = arith.constant 0 : i32
    %dma_start3A_15 = tpu.memref_slice %dma_start3A_12[%dma_start3A_13, %dma_start3A_14] : memref<100001x128xf32, #tpu.memory_space<hbm>> -> memref<100001x128xf32, #tpu.memory_space<hbm>>
    tpu.enqueue_indirect_dma source(%dma_start3A_15 : memref<100001x128xf32, #tpu.memory_space<hbm>>) target(%arg14 : memref<64x128xf32, #tpu.memory_space<vmem>>) offsets(%dma_start3A_8 : memref<64xi32, #tpu.memory_space<vmem>>) semaphore(%arg20 : memref<!tpu.dma_semaphore, #tpu.memory_space<semaphore_mem>>)
    %dma_start3A_16 = arith.constant 0 : i32
    %dma_start3A_17 = tpu.memref_slice %arg12[%dma_start3A_16] : memref<3200xi32, #tpu.memory_space<vmem>> -> memref<64xi32, #tpu.memory_space<vmem>>
    %dma_start3A_18 = arith.constant 0 : i32
    %dma_start3A_19 = arith.constant 0 : i32
    %dma_start3A_20 = tpu.memref_slice %arg6[%dma_start3A_18, %dma_start3A_19] : memref<65536x128xf32, #tpu.memory_space<hbm>> -> memref<65536x128xf32, #tpu.memory_space<hbm>>
    tpu.enqueue_indirect_dma source(%dma_start3A_20 : memref<65536x128xf32, #tpu.memory_space<hbm>>) target(%arg15 : memref<64x128xf32, #tpu.memory_space<vmem>>) offsets(%dma_start3A_17 : memref<64xi32, #tpu.memory_space<vmem>>) semaphore(%arg20 : memref<!tpu.dma_semaphore, #tpu.memory_space<semaphore_mem>>)
    %dma_start3A_21 = arith.constant 0 : i32
    %dma_start3A_22 = tpu.memref_slice %arg13[%dma_start3A_21] : memref<3200xi32, #tpu.memory_space<vmem>> -> memref<64xi32, #tpu.memory_space<vmem>>
    %dma_start3A_23 = arith.constant 0 : i32
    %dma_start3A_24 = arith.constant 0 : i32
    %dma_start3A_25 = tpu.memref_slice %arg7[%dma_start3A_23, %dma_start3A_24] : memref<65536x128xf32, #tpu.memory_space<hbm>> -> memref<65536x128xf32, #tpu.memory_space<hbm>>
    tpu.enqueue_indirect_dma source(%dma_start3A_25 : memref<65536x128xf32, #tpu.memory_space<hbm>>) target(%arg16 : memref<64x128xf32, #tpu.memory_space<vmem>>) offsets(%dma_start3A_22 : memref<64xi32, #tpu.memory_space<vmem>>) semaphore(%arg20 : memref<!tpu.dma_semaphore, #tpu.memory_space<semaphore_mem>>)
    %scan3A = arith.constant 0 : i32
    %scan3A_26 = arith.constant 0 : i32
    %scan3A_27 = arith.constant 24 : i32
    %scan3A_28 = arith.addi %scan3A_26, %scan3A_27 : i32
    %scan3A_29 = arith.constant 1 : i32
    scf.for %scan3A_108 = %scan3A_26 to %scan3A_28 step %scan3A_29  : i32 {
      %mul3A_109 = arith.constant 2 : i32
      %mul3A_110 = arith.muli %mul3A_109, %scan3A_108 : i32
      %add3A_111 = arith.constant 1 : i32
      %add3A_112 = arith.addi %mul3A_110, %add3A_111 : i32
      %mul3A_113 = arith.constant 64 : i32
      %mul3A_114 = arith.muli %add3A_112, %mul3A_113 : i32
      %dma_start3A_115 = tpu.memref_slice %arg11[%mul3A_114] : memref<3200xi32, #tpu.memory_space<vmem>> -> memref<64xi32, #tpu.memory_space<vmem>>
      %dma_start3A_116 = arith.constant 0 : i32
      %dma_start3A_117 = arith.constant 0 : i32
      %dma_start3A_118 = tpu.memref_slice %arg5[%scan3A, %dma_start3A_116, %dma_start3A_117] : memref<1x100001x128xf32, #tpu.memory_space<hbm>> -> memref<1x100001x128xf32, #tpu.memory_space<hbm>>
      %dma_start3A_119 = tpu.memref_squeeze %dma_start3A_118 : memref<1x100001x128xf32, #tpu.memory_space<hbm>> -> memref<100001x128xf32, #tpu.memory_space<hbm>>
      %dma_start3A_120 = arith.constant 0 : i32
      %dma_start3A_121 = arith.constant 0 : i32
      %dma_start3A_122 = tpu.memref_slice %dma_start3A_119[%dma_start3A_120, %dma_start3A_121] : memref<100001x128xf32, #tpu.memory_space<hbm>> -> memref<100001x128xf32, #tpu.memory_space<hbm>>
      tpu.enqueue_indirect_dma source(%dma_start3A_122 : memref<100001x128xf32, #tpu.memory_space<hbm>>) target(%arg17 : memref<64x128xf32, #tpu.memory_space<vmem>>) offsets(%dma_start3A_115 : memref<64xi32, #tpu.memory_space<vmem>>) semaphore(%arg21 : memref<!tpu.dma_semaphore, #tpu.memory_space<semaphore_mem>>)
      %mul3A_123 = arith.constant 64 : i32
      %mul3A_124 = arith.muli %add3A_112, %mul3A_123 : i32
      %dma_start3A_125 = tpu.memref_slice %arg12[%mul3A_124] : memref<3200xi32, #tpu.memory_space<vmem>> -> memref<64xi32, #tpu.memory_space<vmem>>
      %dma_start3A_126 = arith.constant 0 : i32
      %dma_start3A_127 = arith.constant 0 : i32
      %dma_start3A_128 = tpu.memref_slice %arg6[%dma_start3A_126, %dma_start3A_127] : memref<65536x128xf32, #tpu.memory_space<hbm>> -> memref<65536x128xf32, #tpu.memory_space<hbm>>
      tpu.enqueue_indirect_dma source(%dma_start3A_128 : memref<65536x128xf32, #tpu.memory_space<hbm>>) target(%arg18 : memref<64x128xf32, #tpu.memory_space<vmem>>) offsets(%dma_start3A_125 : memref<64xi32, #tpu.memory_space<vmem>>) semaphore(%arg21 : memref<!tpu.dma_semaphore, #tpu.memory_space<semaphore_mem>>)
      %mul3A_129 = arith.constant 64 : i32
      %mul3A_130 = arith.muli %add3A_112, %mul3A_129 : i32
      %dma_start3A_131 = tpu.memref_slice %arg13[%mul3A_130] : memref<3200xi32, #tpu.memory_space<vmem>> -> memref<64xi32, #tpu.memory_space<vmem>>
      %dma_start3A_132 = arith.constant 0 : i32
      %dma_start3A_133 = arith.constant 0 : i32
      %dma_start3A_134 = tpu.memref_slice %arg7[%dma_start3A_132, %dma_start3A_133] : memref<65536x128xf32, #tpu.memory_space<hbm>> -> memref<65536x128xf32, #tpu.memory_space<hbm>>
      tpu.enqueue_indirect_dma source(%dma_start3A_134 : memref<65536x128xf32, #tpu.memory_space<hbm>>) target(%arg19 : memref<64x128xf32, #tpu.memory_space<vmem>>) offsets(%dma_start3A_131 : memref<64xi32, #tpu.memory_space<vmem>>) semaphore(%arg21 : memref<!tpu.dma_semaphore, #tpu.memory_space<semaphore_mem>>)
      %dma_wait3A_135 = arith.constant 0 : i32
      %dma_wait3A_136 = arith.constant 0 : i32
      %dma_wait3A_137 = tpu.memref_slice %arg5[%scan3A, %dma_wait3A_135, %dma_wait3A_136] : memref<1x100001x128xf32, #tpu.memory_space<hbm>> -> memref<1x100001x128xf32, #tpu.memory_space<hbm>>
      %dma_wait3A_138 = tpu.memref_squeeze %dma_wait3A_137 : memref<1x100001x128xf32, #tpu.memory_space<hbm>> -> memref<100001x128xf32, #tpu.memory_space<hbm>>
      %dma_wait3A_139 = arith.constant 0 : i32
      %dma_wait3A_140 = arith.constant 0 : i32
      %dma_wait3A_141 = tpu.memref_slice %dma_wait3A_138[%dma_wait3A_139, %dma_wait3A_140] : memref<100001x128xf32, #tpu.memory_space<hbm>> -> memref<64x128xf32, #tpu.memory_space<hbm>>
      %dma_wait3A_142 = arith.constant 0 : i32
      %dma_wait3A_143 = arith.constant 0 : i32
      %dma_wait3A_144 = tpu.memref_slice %arg5[%scan3A, %dma_wait3A_142, %dma_wait3A_143] : memref<1x100001x128xf32, #tpu.memory_space<hbm>> -> memref<1x100001x128xf32, #tpu.memory_space<hbm>>
      %dma_wait3A_145 = tpu.memref_squeeze %dma_wait3A_144 : memref<1x100001x128xf32, #tpu.memory_space<hbm>> -> memref<100001x128xf32, #tpu.memory_space<hbm>>
      %dma_wait3A_146 = arith.constant 0 : i32
      %dma_wait3A_147 = arith.constant 0 : i32
      %dma_wait3A_148 = tpu.memref_slice %dma_wait3A_145[%dma_wait3A_146, %dma_wait3A_147] : memref<100001x128xf32, #tpu.memory_space<hbm>> -> memref<64x128xf32, #tpu.memory_space<hbm>>
      tpu.wait_dma2 semaphore(%arg20 : memref<!tpu.dma_semaphore, #tpu.memory_space<semaphore_mem>>) src(%dma_wait3A_148 : memref<64x128xf32, #tpu.memory_space<hbm>>) dst(%arg14 : memref<64x128xf32, #tpu.memory_space<vmem>>)
      %dma_wait3A_149 = arith.constant 0 : i32
      %dma_wait3A_150 = arith.constant 0 : i32
      %dma_wait3A_151 = tpu.memref_slice %arg6[%dma_wait3A_149, %dma_wait3A_150] : memref<65536x128xf32, #tpu.memory_space<hbm>> -> memref<64x128xf32, #tpu.memory_space<hbm>>
      %dma_wait3A_152 = arith.constant 0 : i32
      %dma_wait3A_153 = arith.constant 0 : i32
      %dma_wait3A_154 = tpu.memref_slice %arg6[%dma_wait3A_152, %dma_wait3A_153] : memref<65536x128xf32, #tpu.memory_space<hbm>> -> memref<64x128xf32, #tpu.memory_space<hbm>>
      tpu.wait_dma2 semaphore(%arg20 : memref<!tpu.dma_semaphore, #tpu.memory_space<semaphore_mem>>) src(%dma_wait3A_154 : memref<64x128xf32, #tpu.memory_space<hbm>>) dst(%arg15 : memref<64x128xf32, #tpu.memory_space<vmem>>)
      %dma_wait3A_155 = arith.constant 0 : i32
      %dma_wait3A_156 = arith.constant 0 : i32
      %dma_wait3A_157 = tpu.memref_slice %arg7[%dma_wait3A_155, %dma_wait3A_156] : memref<65536x128xf32, #tpu.memory_space<hbm>> -> memref<64x128xf32, #tpu.memory_space<hbm>>
      %dma_wait3A_158 = arith.constant 0 : i32
      %dma_wait3A_159 = arith.constant 0 : i32
      %dma_wait3A_160 = tpu.memref_slice %arg7[%dma_wait3A_158, %dma_wait3A_159] : memref<65536x128xf32, #tpu.memory_space<hbm>> -> memref<64x128xf32, #tpu.memory_space<hbm>>
      tpu.wait_dma2 semaphore(%arg20 : memref<!tpu.dma_semaphore, #tpu.memory_space<semaphore_mem>>) src(%dma_wait3A_160 : memref<64x128xf32, #tpu.memory_space<hbm>>) dst(%arg16 : memref<64x128xf32, #tpu.memory_space<vmem>>)
      %mul3A_161 = arith.constant 64 : i32
      %mul3A_162 = arith.muli %mul3A_110, %mul3A_161 : i32
      %add3A_163 = arith.addi %mul3A_6, %mul3A_162 : i32
      "tpu.region"() ({
        %run_scoped3A = tpu.sem_alloc : memref<!tpu.dma_semaphore, #tpu.memory_space<semaphore_mem>>
        %dma_start3A_219 = arith.constant 0 : i32
        %dma_start3A_220 = tpu.memref_slice %arg8[%add3A_163, %dma_start3A_219] : memref<102400x128xf32, #tpu.memory_space<hbm>> -> memref<64x128xf32, #tpu.memory_space<hbm>>
        %dma_start3A_221 = arith.constant 0 : i32
        %dma_start3A_222 = tpu.memref_slice %arg8[%add3A_163, %dma_start3A_221] : memref<102400x128xf32, #tpu.memory_space<hbm>> -> memref<64x128xf32, #tpu.memory_space<hbm>>
        tpu.enqueue_dma source(%arg14 : memref<64x128xf32, #tpu.memory_space<vmem>>) target(%dma_start3A_222 : memref<64x128xf32, #tpu.memory_space<hbm>>) target_semaphore(%run_scoped3A : memref<!tpu.dma_semaphore, #tpu.memory_space<semaphore_mem>>)
        %dma_wait3A_223 = arith.constant 0 : i32
        %dma_wait3A_224 = tpu.memref_slice %arg8[%add3A_163, %dma_wait3A_223] : memref<102400x128xf32, #tpu.memory_space<hbm>> -> memref<64x128xf32, #tpu.memory_space<hbm>>
        %dma_wait3A_225 = arith.constant 0 : i32
        %dma_wait3A_226 = tpu.memref_slice %arg8[%add3A_163, %dma_wait3A_225] : memref<102400x128xf32, #tpu.memory_space<hbm>> -> memref<64x128xf32, #tpu.memory_space<hbm>>
        tpu.wait_dma2 semaphore(%run_scoped3A : memref<!tpu.dma_semaphore, #tpu.memory_space<semaphore_mem>>) src(%arg14 : memref<64x128xf32, #tpu.memory_space<vmem>>) dst(%dma_wait3A_226 : memref<64x128xf32, #tpu.memory_space<hbm>>)
        tpu.yield
      }) : () -> ()
      "tpu.region"() ({
        %run_scoped3A = tpu.sem_alloc : memref<!tpu.dma_semaphore, #tpu.memory_space<semaphore_mem>>
        %dma_start3A_219 = arith.constant 0 : i32
        %dma_start3A_220 = tpu.memref_slice %arg9[%add3A_163, %dma_start3A_219] : memref<102400x128xf32, #tpu.memory_space<hbm>> -> memref<64x128xf32, #tpu.memory_space<hbm>>
        %dma_start3A_221 = arith.constant 0 : i32
        %dma_start3A_222 = tpu.memref_slice %arg9[%add3A_163, %dma_start3A_221] : memref<102400x128xf32, #tpu.memory_space<hbm>> -> memref<64x128xf32, #tpu.memory_space<hbm>>
        tpu.enqueue_dma source(%arg15 : memref<64x128xf32, #tpu.memory_space<vmem>>) target(%dma_start3A_222 : memref<64x128xf32, #tpu.memory_space<hbm>>) target_semaphore(%run_scoped3A : memref<!tpu.dma_semaphore, #tpu.memory_space<semaphore_mem>>)
        %dma_wait3A_223 = arith.constant 0 : i32
        %dma_wait3A_224 = tpu.memref_slice %arg9[%add3A_163, %dma_wait3A_223] : memref<102400x128xf32, #tpu.memory_space<hbm>> -> memref<64x128xf32, #tpu.memory_space<hbm>>
        %dma_wait3A_225 = arith.constant 0 : i32
        %dma_wait3A_226 = tpu.memref_slice %arg9[%add3A_163, %dma_wait3A_225] : memref<102400x128xf32, #tpu.memory_space<hbm>> -> memref<64x128xf32, #tpu.memory_space<hbm>>
        tpu.wait_dma2 semaphore(%run_scoped3A : memref<!tpu.dma_semaphore, #tpu.memory_space<semaphore_mem>>) src(%arg15 : memref<64x128xf32, #tpu.memory_space<vmem>>) dst(%dma_wait3A_226 : memref<64x128xf32, #tpu.memory_space<hbm>>)
        tpu.yield
      }) : () -> ()
      "tpu.region"() ({
        %run_scoped3A = tpu.sem_alloc : memref<!tpu.dma_semaphore, #tpu.memory_space<semaphore_mem>>
        %dma_start3A_219 = arith.constant 0 : i32
        %dma_start3A_220 = tpu.memref_slice %arg10[%add3A_163, %dma_start3A_219] : memref<102400x128xf32, #tpu.memory_space<hbm>> -> memref<64x128xf32, #tpu.memory_space<hbm>>
        %dma_start3A_221 = arith.constant 0 : i32
        %dma_start3A_222 = tpu.memref_slice %arg10[%add3A_163, %dma_start3A_221] : memref<102400x128xf32, #tpu.memory_space<hbm>> -> memref<64x128xf32, #tpu.memory_space<hbm>>
        tpu.enqueue_dma source(%arg16 : memref<64x128xf32, #tpu.memory_space<vmem>>) target(%dma_start3A_222 : memref<64x128xf32, #tpu.memory_space<hbm>>) target_semaphore(%run_scoped3A : memref<!tpu.dma_semaphore, #tpu.memory_space<semaphore_mem>>)
        %dma_wait3A_223 = arith.constant 0 : i32
        %dma_wait3A_224 = tpu.memref_slice %arg10[%add3A_163, %dma_wait3A_223] : memref<102400x128xf32, #tpu.memory_space<hbm>> -> memref<64x128xf32, #tpu.memory_space<hbm>>
        %dma_wait3A_225 = arith.constant 0 : i32
        %dma_wait3A_226 = tpu.memref_slice %arg10[%add3A_163, %dma_wait3A_225] : memref<102400x128xf32, #tpu.memory_space<hbm>> -> memref<64x128xf32, #tpu.memory_space<hbm>>
        tpu.wait_dma2 semaphore(%run_scoped3A : memref<!tpu.dma_semaphore, #tpu.memory_space<semaphore_mem>>) src(%arg16 : memref<64x128xf32, #tpu.memory_space<vmem>>) dst(%dma_wait3A_226 : memref<64x128xf32, #tpu.memory_space<hbm>>)
        tpu.yield
      }) : () -> ()
      %add3A_164 = arith.constant 2 : i32
      %add3A_165 = arith.addi %mul3A_110, %add3A_164 : i32
      %mul3A_166 = arith.constant 64 : i32
      %mul3A_167 = arith.muli %add3A_165, %mul3A_166 : i32
      %dma_start3A_168 = tpu.memref_slice %arg11[%mul3A_167] : memref<3200xi32, #tpu.memory_space<vmem>> -> memref<64xi32, #tpu.memory_space<vmem>>
      %dma_start3A_169 = arith.constant 0 : i32
      %dma_start3A_170 = arith.constant 0 : i32
      %dma_start3A_171 = tpu.memref_slice %arg5[%scan3A, %dma_start3A_169, %dma_start3A_170] : memref<1x100001x128xf32, #tpu.memory_space<hbm>> -> memref<1x100001x128xf32, #tpu.memory_space<hbm>>
      %dma_start3A_172 = tpu.memref_squeeze %dma_start3A_171 : memref<1x100001x128xf32, #tpu.memory_space<hbm>> -> memref<100001x128xf32, #tpu.memory_space<hbm>>
      %dma_start3A_173 = arith.constant 0 : i32
      %dma_start3A_174 = arith.constant 0 : i32
      %dma_start3A_175 = tpu.memref_slice %dma_start3A_172[%dma_start3A_173, %dma_start3A_174] : memref<100001x128xf32, #tpu.memory_space<hbm>> -> memref<100001x128xf32, #tpu.memory_space<hbm>>
      tpu.enqueue_indirect_dma source(%dma_start3A_175 : memref<100001x128xf32, #tpu.memory_space<hbm>>) target(%arg14 : memref<64x128xf32, #tpu.memory_space<vmem>>) offsets(%dma_start3A_168 : memref<64xi32, #tpu.memory_space<vmem>>) semaphore(%arg20 : memref<!tpu.dma_semaphore, #tpu.memory_space<semaphore_mem>>)
      %mul3A_176 = arith.constant 64 : i32
      %mul3A_177 = arith.muli %add3A_165, %mul3A_176 : i32
      %dma_start3A_178 = tpu.memref_slice %arg12[%mul3A_177] : memref<3200xi32, #tpu.memory_space<vmem>> -> memref<64xi32, #tpu.memory_space<vmem>>
      %dma_start3A_179 = arith.constant 0 : i32
      %dma_start3A_180 = arith.constant 0 : i32
      %dma_start3A_181 = tpu.memref_slice %arg6[%dma_start3A_179, %dma_start3A_180] : memref<65536x128xf32, #tpu.memory_space<hbm>> -> memref<65536x128xf32, #tpu.memory_space<hbm>>
      tpu.enqueue_indirect_dma source(%dma_start3A_181 : memref<65536x128xf32, #tpu.memory_space<hbm>>) target(%arg15 : memref<64x128xf32, #tpu.memory_space<vmem>>) offsets(%dma_start3A_178 : memref<64xi32, #tpu.memory_space<vmem>>) semaphore(%arg20 : memref<!tpu.dma_semaphore, #tpu.memory_space<semaphore_mem>>)
      %mul3A_182 = arith.constant 64 : i32
      %mul3A_183 = arith.muli %add3A_165, %mul3A_182 : i32
      %dma_start3A_184 = tpu.memref_slice %arg13[%mul3A_183] : memref<3200xi32, #tpu.memory_space<vmem>> -> memref<64xi32, #tpu.memory_space<vmem>>
      %dma_start3A_185 = arith.constant 0 : i32
      %dma_start3A_186 = arith.constant 0 : i32
      %dma_start3A_187 = tpu.memref_slice %arg7[%dma_start3A_185, %dma_start3A_186] : memref<65536x128xf32, #tpu.memory_space<hbm>> -> memref<65536x128xf32, #tpu.memory_space<hbm>>
      tpu.enqueue_indirect_dma source(%dma_start3A_187 : memref<65536x128xf32, #tpu.memory_space<hbm>>) target(%arg16 : memref<64x128xf32, #tpu.memory_space<vmem>>) offsets(%dma_start3A_184 : memref<64xi32, #tpu.memory_space<vmem>>) semaphore(%arg20 : memref<!tpu.dma_semaphore, #tpu.memory_space<semaphore_mem>>)
      %dma_wait3A_188 = arith.constant 0 : i32
      %dma_wait3A_189 = arith.constant 0 : i32
      %dma_wait3A_190 = tpu.memref_slice %arg5[%scan3A, %dma_wait3A_188, %dma_wait3A_189] : memref<1x100001x128xf32, #tpu.memory_space<hbm>> -> memref<1x100001x128xf32, #tpu.memory_space<hbm>>
      %dma_wait3A_191 = tpu.memref_squeeze %dma_wait3A_190 : memref<1x100001x128xf32, #tpu.memory_space<hbm>> -> memref<100001x128xf32, #tpu.memory_space<hbm>>
      %dma_wait3A_192 = arith.constant 0 : i32
      %dma_wait3A_193 = arith.constant 0 : i32
      %dma_wait3A_194 = tpu.memref_slice %dma_wait3A_191[%dma_wait3A_192, %dma_wait3A_193] : memref<100001x128xf32, #tpu.memory_space<hbm>> -> memref<64x128xf32, #tpu.memory_space<hbm>>
      %dma_wait3A_195 = arith.constant 0 : i32
      %dma_wait3A_196 = arith.constant 0 : i32
      %dma_wait3A_197 = tpu.memref_slice %arg5[%scan3A, %dma_wait3A_195, %dma_wait3A_196] : memref<1x100001x128xf32, #tpu.memory_space<hbm>> -> memref<1x100001x128xf32, #tpu.memory_space<hbm>>
      %dma_wait3A_198 = tpu.memref_squeeze %dma_wait3A_197 : memref<1x100001x128xf32, #tpu.memory_space<hbm>> -> memref<100001x128xf32, #tpu.memory_space<hbm>>
      %dma_wait3A_199 = arith.constant 0 : i32
      %dma_wait3A_200 = arith.constant 0 : i32
      %dma_wait3A_201 = tpu.memref_slice %dma_wait3A_198[%dma_wait3A_199, %dma_wait3A_200] : memref<100001x128xf32, #tpu.memory_space<hbm>> -> memref<64x128xf32, #tpu.memory_space<hbm>>
      tpu.wait_dma2 semaphore(%arg21 : memref<!tpu.dma_semaphore, #tpu.memory_space<semaphore_mem>>) src(%dma_wait3A_201 : memref<64x128xf32, #tpu.memory_space<hbm>>) dst(%arg17 : memref<64x128xf32, #tpu.memory_space<vmem>>)
      %dma_wait3A_202 = arith.constant 0 : i32
      %dma_wait3A_203 = arith.constant 0 : i32
      %dma_wait3A_204 = tpu.memref_slice %arg6[%dma_wait3A_202, %dma_wait3A_203] : memref<65536x128xf32, #tpu.memory_space<hbm>> -> memref<64x128xf32, #tpu.memory_space<hbm>>
      %dma_wait3A_205 = arith.constant 0 : i32
      %dma_wait3A_206 = arith.constant 0 : i32
      %dma_wait3A_207 = tpu.memref_slice %arg6[%dma_wait3A_205, %dma_wait3A_206] : memref<65536x128xf32, #tpu.memory_space<hbm>> -> memref<64x128xf32, #tpu.memory_space<hbm>>
      tpu.wait_dma2 semaphore(%arg21 : memref<!tpu.dma_semaphore, #tpu.memory_space<semaphore_mem>>) src(%dma_wait3A_207 : memref<64x128xf32, #tpu.memory_space<hbm>>) dst(%arg18 : memref<64x128xf32, #tpu.memory_space<vmem>>)
      %dma_wait3A_208 = arith.constant 0 : i32
      %dma_wait3A_209 = arith.constant 0 : i32
      %dma_wait3A_210 = tpu.memref_slice %arg7[%dma_wait3A_208, %dma_wait3A_209] : memref<65536x128xf32, #tpu.memory_space<hbm>> -> memref<64x128xf32, #tpu.memory_space<hbm>>
      %dma_wait3A_211 = arith.constant 0 : i32
      %dma_wait3A_212 = arith.constant 0 : i32
      %dma_wait3A_213 = tpu.memref_slice %arg7[%dma_wait3A_211, %dma_wait3A_212] : memref<65536x128xf32, #tpu.memory_space<hbm>> -> memref<64x128xf32, #tpu.memory_space<hbm>>
      tpu.wait_dma2 semaphore(%arg21 : memref<!tpu.dma_semaphore, #tpu.memory_space<semaphore_mem>>) src(%dma_wait3A_213 : memref<64x128xf32, #tpu.memory_space<hbm>>) dst(%arg19 : memref<64x128xf32, #tpu.memory_space<vmem>>)
      %add3A_214 = arith.constant 1 : i32
      %add3A_215 = arith.addi %mul3A_110, %add3A_214 : i32
      %mul3A_216 = arith.constant 64 : i32
      %mul3A_217 = arith.muli %add3A_215, %mul3A_216 : i32
      %add3A_218 = arith.addi %mul3A_6, %mul3A_217 : i32
      "tpu.region"() ({
        %run_scoped3A = tpu.sem_alloc : memref<!tpu.dma_semaphore, #tpu.memory_space<semaphore_mem>>
        %dma_start3A_219 = arith.constant 0 : i32
        %dma_start3A_220 = tpu.memref_slice %arg8[%add3A_218, %dma_start3A_219] : memref<102400x128xf32, #tpu.memory_space<hbm>> -> memref<64x128xf32, #tpu.memory_space<hbm>>
        %dma_start3A_221 = arith.constant 0 : i32
        %dma_start3A_222 = tpu.memref_slice %arg8[%add3A_218, %dma_start3A_221] : memref<102400x128xf32, #tpu.memory_space<hbm>> -> memref<64x128xf32, #tpu.memory_space<hbm>>
        tpu.enqueue_dma source(%arg17 : memref<64x128xf32, #tpu.memory_space<vmem>>) target(%dma_start3A_222 : memref<64x128xf32, #tpu.memory_space<hbm>>) target_semaphore(%run_scoped3A : memref<!tpu.dma_semaphore, #tpu.memory_space<semaphore_mem>>)
        %dma_wait3A_223 = arith.constant 0 : i32
        %dma_wait3A_224 = tpu.memref_slice %arg8[%add3A_218, %dma_wait3A_223] : memref<102400x128xf32, #tpu.memory_space<hbm>> -> memref<64x128xf32, #tpu.memory_space<hbm>>
        %dma_wait3A_225 = arith.constant 0 : i32
        %dma_wait3A_226 = tpu.memref_slice %arg8[%add3A_218, %dma_wait3A_225] : memref<102400x128xf32, #tpu.memory_space<hbm>> -> memref<64x128xf32, #tpu.memory_space<hbm>>
        tpu.wait_dma2 semaphore(%run_scoped3A : memref<!tpu.dma_semaphore, #tpu.memory_space<semaphore_mem>>) src(%arg17 : memref<64x128xf32, #tpu.memory_space<vmem>>) dst(%dma_wait3A_226 : memref<64x128xf32, #tpu.memory_space<hbm>>)
        tpu.yield
      }) : () -> ()
      "tpu.region"() ({
        %run_scoped3A = tpu.sem_alloc : memref<!tpu.dma_semaphore, #tpu.memory_space<semaphore_mem>>
        %dma_start3A_219 = arith.constant 0 : i32
        %dma_start3A_220 = tpu.memref_slice %arg9[%add3A_218, %dma_start3A_219] : memref<102400x128xf32, #tpu.memory_space<hbm>> -> memref<64x128xf32, #tpu.memory_space<hbm>>
        %dma_start3A_221 = arith.constant 0 : i32
        %dma_start3A_222 = tpu.memref_slice %arg9[%add3A_218, %dma_start3A_221] : memref<102400x128xf32, #tpu.memory_space<hbm>> -> memref<64x128xf32, #tpu.memory_space<hbm>>
        tpu.enqueue_dma source(%arg18 : memref<64x128xf32, #tpu.memory_space<vmem>>) target(%dma_start3A_222 : memref<64x128xf32, #tpu.memory_space<hbm>>) target_semaphore(%run_scoped3A : memref<!tpu.dma_semaphore, #tpu.memory_space<semaphore_mem>>)
        %dma_wait3A_223 = arith.constant 0 : i32
        %dma_wait3A_224 = tpu.memref_slice %arg9[%add3A_218, %dma_wait3A_223] : memref<102400x128xf32, #tpu.memory_space<hbm>> -> memref<64x128xf32, #tpu.memory_space<hbm>>
        %dma_wait3A_225 = arith.constant 0 : i32
        %dma_wait3A_226 = tpu.memref_slice %arg9[%add3A_218, %dma_wait3A_225] : memref<102400x128xf32, #tpu.memory_space<hbm>> -> memref<64x128xf32, #tpu.memory_space<hbm>>
        tpu.wait_dma2 semaphore(%run_scoped3A : memref<!tpu.dma_semaphore, #tpu.memory_space<semaphore_mem>>) src(%arg18 : memref<64x128xf32, #tpu.memory_space<vmem>>) dst(%dma_wait3A_226 : memref<64x128xf32, #tpu.memory_space<hbm>>)
        tpu.yield
      }) : () -> ()
      "tpu.region"() ({
        %run_scoped3A = tpu.sem_alloc : memref<!tpu.dma_semaphore, #tpu.memory_space<semaphore_mem>>
        %dma_start3A_219 = arith.constant 0 : i32
        %dma_start3A_220 = tpu.memref_slice %arg10[%add3A_218, %dma_start3A_219] : memref<102400x128xf32, #tpu.memory_space<hbm>> -> memref<64x128xf32, #tpu.memory_space<hbm>>
        %dma_start3A_221 = arith.constant 0 : i32
        %dma_start3A_222 = tpu.memref_slice %arg10[%add3A_218, %dma_start3A_221] : memref<102400x128xf32, #tpu.memory_space<hbm>> -> memref<64x128xf32, #tpu.memory_space<hbm>>
        tpu.enqueue_dma source(%arg19 : memref<64x128xf32, #tpu.memory_space<vmem>>) target(%dma_start3A_222 : memref<64x128xf32, #tpu.memory_space<hbm>>) target_semaphore(%run_scoped3A : memref<!tpu.dma_semaphore, #tpu.memory_space<semaphore_mem>>)
        %dma_wait3A_223 = arith.constant 0 : i32
        %dma_wait3A_224 = tpu.memref_slice %arg10[%add3A_218, %dma_wait3A_223] : memref<102400x128xf32, #tpu.memory_space<hbm>> -> memref<64x128xf32, #tpu.memory_space<hbm>>
        %dma_wait3A_225 = arith.constant 0 : i32
        %dma_wait3A_226 = tpu.memref_slice %arg10[%add3A_218, %dma_wait3A_225] : memref<102400x128xf32, #tpu.memory_space<hbm>> -> memref<64x128xf32, #tpu.memory_space<hbm>>
        tpu.wait_dma2 semaphore(%run_scoped3A : memref<!tpu.dma_semaphore, #tpu.memory_space<semaphore_mem>>) src(%arg19 : memref<64x128xf32, #tpu.memory_space<vmem>>) dst(%dma_wait3A_226 : memref<64x128xf32, #tpu.memory_space<hbm>>)
        tpu.yield
      }) : () -> ()
    }
    %scan3A_30 = arith.constant 24 : i32
    %dma_start3A_31 = arith.constant 0 : i32
    %dma_start3A_32 = arith.constant 3136 : i32
    %dma_start3A_33 = tpu.memref_slice %arg11[%dma_start3A_32] : memref<3200xi32, #tpu.memory_space<vmem>> -> memref<64xi32, #tpu.memory_space<vmem>>
    %dma_start3A_34 = arith.constant 0 : i32
    %dma_start3A_35 = arith.constant 0 : i32
    %dma_start3A_36 = tpu.memref_slice %arg5[%dma_start3A_31, %dma_start3A_34, %dma_start3A_35] : memref<1x100001x128xf32, #tpu.memory_space<hbm>> -> memref<1x100001x128xf32, #tpu.memory_space<hbm>>
    %dma_start3A_37 = tpu.memref_squeeze %dma_start3A_36 : memref<1x100001x128xf32, #tpu.memory_space<hbm>> -> memref<100001x128xf32, #tpu.memory_space<hbm>>
    %dma_start3A_38 = arith.constant 0 : i32
    %dma_start3A_39 = arith.constant 0 : i32
    %dma_start3A_40 = tpu.memref_slice %dma_start3A_37[%dma_start3A_38, %dma_start3A_39] : memref<100001x128xf32, #tpu.memory_space<hbm>> -> memref<100001x128xf32, #tpu.memory_space<hbm>>
    tpu.enqueue_indirect_dma source(%dma_start3A_40 : memref<100001x128xf32, #tpu.memory_space<hbm>>) target(%arg17 : memref<64x128xf32, #tpu.memory_space<vmem>>) offsets(%dma_start3A_33 : memref<64xi32, #tpu.memory_space<vmem>>) semaphore(%arg21 : memref<!tpu.dma_semaphore, #tpu.memory_space<semaphore_mem>>)
    %dma_start3A_41 = arith.constant 3136 : i32
    %dma_start3A_42 = tpu.memref_slice %arg12[%dma_start3A_41] : memref<3200xi32, #tpu.memory_space<vmem>> -> memref<64xi32, #tpu.memory_space<vmem>>
    %dma_start3A_43 = arith.constant 0 : i32
    %dma_start3A_44 = arith.constant 0 : i32
    %dma_start3A_45 = tpu.memref_slice %arg6[%dma_start3A_43, %dma_start3A_44] : memref<65536x128xf32, #tpu.memory_space<hbm>> -> memref<65536x128xf32, #tpu.memory_space<hbm>>
    tpu.enqueue_indirect_dma source(%dma_start3A_45 : memref<65536x128xf32, #tpu.memory_space<hbm>>) target(%arg18 : memref<64x128xf32, #tpu.memory_space<vmem>>) offsets(%dma_start3A_42 : memref<64xi32, #tpu.memory_space<vmem>>) semaphore(%arg21 : memref<!tpu.dma_semaphore, #tpu.memory_space<semaphore_mem>>)
    %dma_start3A_46 = arith.constant 3136 : i32
    %dma_start3A_47 = tpu.memref_slice %arg13[%dma_start3A_46] : memref<3200xi32, #tpu.memory_space<vmem>> -> memref<64xi32, #tpu.memory_space<vmem>>
    %dma_start3A_48 = arith.constant 0 : i32
    %dma_start3A_49 = arith.constant 0 : i32
    %dma_start3A_50 = tpu.memref_slice %arg7[%dma_start3A_48, %dma_start3A_49] : memref<65536x128xf32, #tpu.memory_space<hbm>> -> memref<65536x128xf32, #tpu.memory_space<hbm>>
    tpu.enqueue_indirect_dma source(%dma_start3A_50 : memref<65536x128xf32, #tpu.memory_space<hbm>>) target(%arg19 : memref<64x128xf32, #tpu.memory_space<vmem>>) offsets(%dma_start3A_47 : memref<64xi32, #tpu.memory_space<vmem>>) semaphore(%arg21 : memref<!tpu.dma_semaphore, #tpu.memory_space<semaphore_mem>>)
    %dma_wait3A = arith.constant 0 : i32
    %dma_wait3A_51 = arith.constant 0 : i32
    %dma_wait3A_52 = arith.constant 0 : i32
    %dma_wait3A_53 = tpu.memref_slice %arg5[%dma_wait3A, %dma_wait3A_51, %dma_wait3A_52] : memref<1x100001x128xf32, #tpu.memory_space<hbm>> -> memref<1x100001x128xf32, #tpu.memory_space<hbm>>
    %dma_wait3A_54 = tpu.memref_squeeze %dma_wait3A_53 : memref<1x100001x128xf32, #tpu.memory_space<hbm>> -> memref<100001x128xf32, #tpu.memory_space<hbm>>
    %dma_wait3A_55 = arith.constant 0 : i32
    %dma_wait3A_56 = arith.constant 0 : i32
    %dma_wait3A_57 = tpu.memref_slice %dma_wait3A_54[%dma_wait3A_55, %dma_wait3A_56] : memref<100001x128xf32, #tpu.memory_space<hbm>> -> memref<64x128xf32, #tpu.memory_space<hbm>>
    %dma_wait3A_58 = arith.constant 0 : i32
    %dma_wait3A_59 = arith.constant 0 : i32
    %dma_wait3A_60 = tpu.memref_slice %arg5[%dma_wait3A, %dma_wait3A_58, %dma_wait3A_59] : memref<1x100001x128xf32, #tpu.memory_space<hbm>> -> memref<1x100001x128xf32, #tpu.memory_space<hbm>>
    %dma_wait3A_61 = tpu.memref_squeeze %dma_wait3A_60 : memref<1x100001x128xf32, #tpu.memory_space<hbm>> -> memref<100001x128xf32, #tpu.memory_space<hbm>>
    %dma_wait3A_62 = arith.constant 0 : i32
    %dma_wait3A_63 = arith.constant 0 : i32
    %dma_wait3A_64 = tpu.memref_slice %dma_wait3A_61[%dma_wait3A_62, %dma_wait3A_63] : memref<100001x128xf32, #tpu.memory_space<hbm>> -> memref<64x128xf32, #tpu.memory_space<hbm>>
    tpu.wait_dma2 semaphore(%arg20 : memref<!tpu.dma_semaphore, #tpu.memory_space<semaphore_mem>>) src(%dma_wait3A_64 : memref<64x128xf32, #tpu.memory_space<hbm>>) dst(%arg14 : memref<64x128xf32, #tpu.memory_space<vmem>>)
    %dma_wait3A_65 = arith.constant 0 : i32
    %dma_wait3A_66 = arith.constant 0 : i32
    %dma_wait3A_67 = tpu.memref_slice %arg6[%dma_wait3A_65, %dma_wait3A_66] : memref<65536x128xf32, #tpu.memory_space<hbm>> -> memref<64x128xf32, #tpu.memory_space<hbm>>
    %dma_wait3A_68 = arith.constant 0 : i32
    %dma_wait3A_69 = arith.constant 0 : i32
    %dma_wait3A_70 = tpu.memref_slice %arg6[%dma_wait3A_68, %dma_wait3A_69] : memref<65536x128xf32, #tpu.memory_space<hbm>> -> memref<64x128xf32, #tpu.memory_space<hbm>>
    tpu.wait_dma2 semaphore(%arg20 : memref<!tpu.dma_semaphore, #tpu.memory_space<semaphore_mem>>) src(%dma_wait3A_70 : memref<64x128xf32, #tpu.memory_space<hbm>>) dst(%arg15 : memref<64x128xf32, #tpu.memory_space<vmem>>)
    %dma_wait3A_71 = arith.constant 0 : i32
    %dma_wait3A_72 = arith.constant 0 : i32
    %dma_wait3A_73 = tpu.memref_slice %arg7[%dma_wait3A_71, %dma_wait3A_72] : memref<65536x128xf32, #tpu.memory_space<hbm>> -> memref<64x128xf32, #tpu.memory_space<hbm>>
    %dma_wait3A_74 = arith.constant 0 : i32
    %dma_wait3A_75 = arith.constant 0 : i32
    %dma_wait3A_76 = tpu.memref_slice %arg7[%dma_wait3A_74, %dma_wait3A_75] : memref<65536x128xf32, #tpu.memory_space<hbm>> -> memref<64x128xf32, #tpu.memory_space<hbm>>
    tpu.wait_dma2 semaphore(%arg20 : memref<!tpu.dma_semaphore, #tpu.memory_space<semaphore_mem>>) src(%dma_wait3A_76 : memref<64x128xf32, #tpu.memory_space<hbm>>) dst(%arg16 : memref<64x128xf32, #tpu.memory_space<vmem>>)
    %add3A_77 = arith.constant 3072 : i32
    %add3A_78 = arith.addi %mul3A_6, %add3A_77 : i32
    "tpu.region"() ({
      %run_scoped3A = tpu.sem_alloc : memref<!tpu.dma_semaphore, #tpu.memory_space<semaphore_mem>>
      %dma_start3A_108 = arith.constant 0 : i32
      %dma_start3A_109 = tpu.memref_slice %arg8[%add3A_78, %dma_start3A_108] : memref<102400x128xf32, #tpu.memory_space<hbm>> -> memref<64x128xf32, #tpu.memory_space<hbm>>
      %dma_start3A_110 = arith.constant 0 : i32
      %dma_start3A_111 = tpu.memref_slice %arg8[%add3A_78, %dma_start3A_110] : memref<102400x128xf32, #tpu.memory_space<hbm>> -> memref<64x128xf32, #tpu.memory_space<hbm>>
      tpu.enqueue_dma source(%arg14 : memref<64x128xf32, #tpu.memory_space<vmem>>) target(%dma_start3A_111 : memref<64x128xf32, #tpu.memory_space<hbm>>) target_semaphore(%run_scoped3A : memref<!tpu.dma_semaphore, #tpu.memory_space<semaphore_mem>>)
      %dma_wait3A_112 = arith.constant 0 : i32
      %dma_wait3A_113 = tpu.memref_slice %arg8[%add3A_78, %dma_wait3A_112] : memref<102400x128xf32, #tpu.memory_space<hbm>> -> memref<64x128xf32, #tpu.memory_space<hbm>>
      %dma_wait3A_114 = arith.constant 0 : i32
      %dma_wait3A_115 = tpu.memref_slice %arg8[%add3A_78, %dma_wait3A_114] : memref<102400x128xf32, #tpu.memory_space<hbm>> -> memref<64x128xf32, #tpu.memory_space<hbm>>
      tpu.wait_dma2 semaphore(%run_scoped3A : memref<!tpu.dma_semaphore, #tpu.memory_space<semaphore_mem>>) src(%arg14 : memref<64x128xf32, #tpu.memory_space<vmem>>) dst(%dma_wait3A_115 : memref<64x128xf32, #tpu.memory_space<hbm>>)
      tpu.yield
    }) : () -> ()
    "tpu.region"() ({
      %run_scoped3A = tpu.sem_alloc : memref<!tpu.dma_semaphore, #tpu.memory_space<semaphore_mem>>
      %dma_start3A_108 = arith.constant 0 : i32
      %dma_start3A_109 = tpu.memref_slice %arg9[%add3A_78, %dma_start3A_108] : memref<102400x128xf32, #tpu.memory_space<hbm>> -> memref<64x128xf32, #tpu.memory_space<hbm>>
      %dma_start3A_110 = arith.constant 0 : i32
      %dma_start3A_111 = tpu.memref_slice %arg9[%add3A_78, %dma_start3A_110] : memref<102400x128xf32, #tpu.memory_space<hbm>> -> memref<64x128xf32, #tpu.memory_space<hbm>>
      tpu.enqueue_dma source(%arg15 : memref<64x128xf32, #tpu.memory_space<vmem>>) target(%dma_start3A_111 : memref<64x128xf32, #tpu.memory_space<hbm>>) target_semaphore(%run_scoped3A : memref<!tpu.dma_semaphore, #tpu.memory_space<semaphore_mem>>)
      %dma_wait3A_112 = arith.constant 0 : i32
      %dma_wait3A_113 = tpu.memref_slice %arg9[%add3A_78, %dma_wait3A_112] : memref<102400x128xf32, #tpu.memory_space<hbm>> -> memref<64x128xf32, #tpu.memory_space<hbm>>
      %dma_wait3A_114 = arith.constant 0 : i32
      %dma_wait3A_115 = tpu.memref_slice %arg9[%add3A_78, %dma_wait3A_114] : memref<102400x128xf32, #tpu.memory_space<hbm>> -> memref<64x128xf32, #tpu.memory_space<hbm>>
      tpu.wait_dma2 semaphore(%run_scoped3A : memref<!tpu.dma_semaphore, #tpu.memory_space<semaphore_mem>>) src(%arg15 : memref<64x128xf32, #tpu.memory_space<vmem>>) dst(%dma_wait3A_115 : memref<64x128xf32, #tpu.memory_space<hbm>>)
      tpu.yield
    }) : () -> ()
    "tpu.region"() ({
      %run_scoped3A = tpu.sem_alloc : memref<!tpu.dma_semaphore, #tpu.memory_space<semaphore_mem>>
      %dma_start3A_108 = arith.constant 0 : i32
      %dma_start3A_109 = tpu.memref_slice %arg10[%add3A_78, %dma_start3A_108] : memref<102400x128xf32, #tpu.memory_space<hbm>> -> memref<64x128xf32, #tpu.memory_space<hbm>>
      %dma_start3A_110 = arith.constant 0 : i32
      %dma_start3A_111 = tpu.memref_slice %arg10[%add3A_78, %dma_start3A_110] : memref<102400x128xf32, #tpu.memory_space<hbm>> -> memref<64x128xf32, #tpu.memory_space<hbm>>
      tpu.enqueue_dma source(%arg16 : memref<64x128xf32, #tpu.memory_space<vmem>>) target(%dma_start3A_111 : memref<64x128xf32, #tpu.memory_space<hbm>>) target_semaphore(%run_scoped3A : memref<!tpu.dma_semaphore, #tpu.memory_space<semaphore_mem>>)
      %dma_wait3A_112 = arith.constant 0 : i32
      %dma_wait3A_113 = tpu.memref_slice %arg10[%add3A_78, %dma_wait3A_112] : memref<102400x128xf32, #tpu.memory_space<hbm>> -> memref<64x128xf32, #tpu.memory_space<hbm>>
      %dma_wait3A_114 = arith.constant 0 : i32
      %dma_wait3A_115 = tpu.memref_slice %arg10[%add3A_78, %dma_wait3A_114] : memref<102400x128xf32, #tpu.memory_space<hbm>> -> memref<64x128xf32, #tpu.memory_space<hbm>>
      tpu.wait_dma2 semaphore(%run_scoped3A : memref<!tpu.dma_semaphore, #tpu.memory_space<semaphore_mem>>) src(%arg16 : memref<64x128xf32, #tpu.memory_space<vmem>>) dst(%dma_wait3A_115 : memref<64x128xf32, #tpu.memory_space<hbm>>)
      tpu.yield
    }) : () -> ()
    %dma_wait3A_79 = arith.constant 0 : i32
    %dma_wait3A_80 = arith.constant 0 : i32
    %dma_wait3A_81 = arith.constant 0 : i32
    %dma_wait3A_82 = tpu.memref_slice %arg5[%dma_wait3A_79, %dma_wait3A_80, %dma_wait3A_81] : memref<1x100001x128xf32, #tpu.memory_space<hbm>> -> memref<1x100001x128xf32, #tpu.memory_space<hbm>>
    %dma_wait3A_83 = tpu.memref_squeeze %dma_wait3A_82 : memref<1x100001x128xf32, #tpu.memory_space<hbm>> -> memref<100001x128xf32, #tpu.memory_space<hbm>>
    %dma_wait3A_84 = arith.constant 0 : i32
    %dma_wait3A_85 = arith.constant 0 : i32
    %dma_wait3A_86 = tpu.memref_slice %dma_wait3A_83[%dma_wait3A_84, %dma_wait3A_85] : memref<100001x128xf32, #tpu.memory_space<hbm>> -> memref<64x128xf32, #tpu.memory_space<hbm>>
    %dma_wait3A_87 = arith.constant 0 : i32
    %dma_wait3A_88 = arith.constant 0 : i32
    %dma_wait3A_89 = tpu.memref_slice %arg5[%dma_wait3A_79, %dma_wait3A_87, %dma_wait3A_88] : memref<1x100001x128xf32, #tpu.memory_space<hbm>> -> memref<1x100001x128xf32, #tpu.memory_space<hbm>>
    %dma_wait3A_90 = tpu.memref_squeeze %dma_wait3A_89 : memref<1x100001x128xf32, #tpu.memory_space<hbm>> -> memref<100001x128xf32, #tpu.memory_space<hbm>>
    %dma_wait3A_91 = arith.constant 0 : i32
    %dma_wait3A_92 = arith.constant 0 : i32
    %dma_wait3A_93 = tpu.memref_slice %dma_wait3A_90[%dma_wait3A_91, %dma_wait3A_92] : memref<100001x128xf32, #tpu.memory_space<hbm>> -> memref<64x128xf32, #tpu.memory_space<hbm>>
    tpu.wait_dma2 semaphore(%arg21 : memref<!tpu.dma_semaphore, #tpu.memory_space<semaphore_mem>>) src(%dma_wait3A_93 : memref<64x128xf32, #tpu.memory_space<hbm>>) dst(%arg17 : memref<64x128xf32, #tpu.memory_space<vmem>>)
    %dma_wait3A_94 = arith.constant 0 : i32
    %dma_wait3A_95 = arith.constant 0 : i32
    %dma_wait3A_96 = tpu.memref_slice %arg6[%dma_wait3A_94, %dma_wait3A_95] : memref<65536x128xf32, #tpu.memory_space<hbm>> -> memref<64x128xf32, #tpu.memory_space<hbm>>
    %dma_wait3A_97 = arith.constant 0 : i32
    %dma_wait3A_98 = arith.constant 0 : i32
    %dma_wait3A_99 = tpu.memref_slice %arg6[%dma_wait3A_97, %dma_wait3A_98] : memref<65536x128xf32, #tpu.memory_space<hbm>> -> memref<64x128xf32, #tpu.memory_space<hbm>>
    tpu.wait_dma2 semaphore(%arg21 : memref<!tpu.dma_semaphore, #tpu.memory_space<semaphore_mem>>) src(%dma_wait3A_99 : memref<64x128xf32, #tpu.memory_space<hbm>>) dst(%arg18 : memref<64x128xf32, #tpu.memory_space<vmem>>)
    %dma_wait3A_100 = arith.constant 0 : i32
    %dma_wait3A_101 = arith.constant 0 : i32
    %dma_wait3A_102 = tpu.memref_slice %arg7[%dma_wait3A_100, %dma_wait3A_101] : memref<65536x128xf32, #tpu.memory_space<hbm>> -> memref<64x128xf32, #tpu.memory_space<hbm>>
    %dma_wait3A_103 = arith.constant 0 : i32
    %dma_wait3A_104 = arith.constant 0 : i32
    %dma_wait3A_105 = tpu.memref_slice %arg7[%dma_wait3A_103, %dma_wait3A_104] : memref<65536x128xf32, #tpu.memory_space<hbm>> -> memref<64x128xf32, #tpu.memory_space<hbm>>
    tpu.wait_dma2 semaphore(%arg21 : memref<!tpu.dma_semaphore, #tpu.memory_space<semaphore_mem>>) src(%dma_wait3A_105 : memref<64x128xf32, #tpu.memory_space<hbm>>) dst(%arg19 : memref<64x128xf32, #tpu.memory_space<vmem>>)
    %add3A_106 = arith.constant 3136 : i32
    %add3A_107 = arith.addi %mul3A_6, %add3A_106 : i32
    "tpu.region"() ({
      %run_scoped3A = tpu.sem_alloc : memref<!tpu.dma_semaphore, #tpu.memory_space<semaphore_mem>>
      %dma_start3A_108 = arith.constant 0 : i32
      %dma_start3A_109 = tpu.memref_slice %arg8[%add3A_107, %dma_start3A_108] : memref<102400x128xf32, #tpu.memory_space<hbm>> -> memref<64x128xf32, #tpu.memory_space<hbm>>
      %dma_start3A_110 = arith.constant 0 : i32
      %dma_start3A_111 = tpu.memref_slice %arg8[%add3A_107, %dma_start3A_110] : memref<102400x128xf32, #tpu.memory_space<hbm>> -> memref<64x128xf32, #tpu.memory_space<hbm>>
      tpu.enqueue_dma source(%arg17 : memref<64x128xf32, #tpu.memory_space<vmem>>) target(%dma_start3A_111 : memref<64x128xf32, #tpu.memory_space<hbm>>) target_semaphore(%run_scoped3A : memref<!tpu.dma_semaphore, #tpu.memory_space<semaphore_mem>>)
      %dma_wait3A_112 = arith.constant 0 : i32
      %dma_wait3A_113 = tpu.memref_slice %arg8[%add3A_107, %dma_wait3A_112] : memref<102400x128xf32, #tpu.memory_space<hbm>> -> memref<64x128xf32, #tpu.memory_space<hbm>>
      %dma_wait3A_114 = arith.constant 0 : i32
      %dma_wait3A_115 = tpu.memref_slice %arg8[%add3A_107, %dma_wait3A_114] : memref<102400x128xf32, #tpu.memory_space<hbm>> -> memref<64x128xf32, #tpu.memory_space<hbm>>
      tpu.wait_dma2 semaphore(%run_scoped3A : memref<!tpu.dma_semaphore, #tpu.memory_space<semaphore_mem>>) src(%arg17 : memref<64x128xf32, #tpu.memory_space<vmem>>) dst(%dma_wait3A_115 : memref<64x128xf32, #tpu.memory_space<hbm>>)
      tpu.yield
    }) : () -> ()
    "tpu.region"() ({
      %run_scoped3A = tpu.sem_alloc : memref<!tpu.dma_semaphore, #tpu.memory_space<semaphore_mem>>
      %dma_start3A_108 = arith.constant 0 : i32
      %dma_start3A_109 = tpu.memref_slice %arg9[%add3A_107, %dma_start3A_108] : memref<102400x128xf32, #tpu.memory_space<hbm>> -> memref<64x128xf32, #tpu.memory_space<hbm>>
      %dma_start3A_110 = arith.constant 0 : i32
      %dma_start3A_111 = tpu.memref_slice %arg9[%add3A_107, %dma_start3A_110] : memref<102400x128xf32, #tpu.memory_space<hbm>> -> memref<64x128xf32, #tpu.memory_space<hbm>>
      tpu.enqueue_dma source(%arg18 : memref<64x128xf32, #tpu.memory_space<vmem>>) target(%dma_start3A_111 : memref<64x128xf32, #tpu.memory_space<hbm>>) target_semaphore(%run_scoped3A : memref<!tpu.dma_semaphore, #tpu.memory_space<semaphore_mem>>)
      %dma_wait3A_112 = arith.constant 0 : i32
      %dma_wait3A_113 = tpu.memref_slice %arg9[%add3A_107, %dma_wait3A_112] : memref<102400x128xf32, #tpu.memory_space<hbm>> -> memref<64x128xf32, #tpu.memory_space<hbm>>
      %dma_wait3A_114 = arith.constant 0 : i32
      %dma_wait3A_115 = tpu.memref_slice %arg9[%add3A_107, %dma_wait3A_114] : memref<102400x128xf32, #tpu.memory_space<hbm>> -> memref<64x128xf32, #tpu.memory_space<hbm>>
      tpu.wait_dma2 semaphore(%run_scoped3A : memref<!tpu.dma_semaphore, #tpu.memory_space<semaphore_mem>>) src(%arg18 : memref<64x128xf32, #tpu.memory_space<vmem>>) dst(%dma_wait3A_115 : memref<64x128xf32, #tpu.memory_space<hbm>>)
      tpu.yield
    }) : () -> ()
    "tpu.region"() ({
      %run_scoped3A = tpu.sem_alloc : memref<!tpu.dma_semaphore, #tpu.memory_space<semaphore_mem>>
      %dma_start3A_108 = arith.constant 0 : i32
      %dma_start3A_109 = tpu.memref_slice %arg10[%add3A_107, %dma_start3A_108] : memref<102400x128xf32, #tpu.memory_space<hbm>> -> memref<64x128xf32, #tpu.memory_space<hbm>>
      %dma_start3A_110 = arith.constant 0 : i32
      %dma_start3A_111 = tpu.memref_slice %arg10[%add3A_107, %dma_start3A_110] : memref<102400x128xf32, #tpu.memory_space<hbm>> -> memref<64x128xf32, #tpu.memory_space<hbm>>
      tpu.enqueue_dma source(%arg19 : memref<64x128xf32, #tpu.memory_space<vmem>>) target(%dma_start3A_111 : memref<64x128xf32, #tpu.memory_space<hbm>>) target_semaphore(%run_scoped3A : memref<!tpu.dma_semaphore, #tpu.memory_space<semaphore_mem>>)
      %dma_wait3A_112 = arith.constant 0 : i32
      %dma_wait3A_113 = tpu.memref_slice %arg10[%add3A_107, %dma_wait3A_112] : memref<102400x128xf32, #tpu.memory_space<hbm>> -> memref<64x128xf32, #tpu.memory_space<hbm>>
      %dma_wait3A_114 = arith.constant 0 : i32
      %dma_wait3A_115 = tpu.memref_slice %arg10[%add3A_107, %dma_wait3A_114] : memref<102400x128xf32, #tpu.memory_space<hbm>> -> memref<64x128xf32, #tpu.memory_space<hbm>>
      tpu.wait_dma2 semaphore(%run_scoped3A : memref<!tpu.dma_semaphore, #tpu.memory_space<semaphore_mem>>) src(%arg19 : memref<64x128xf32, #tpu.memory_space<vmem>>) dst(%dma_wait3A_115 : memref<64x128xf32, #tpu.memory_space<hbm>>)
      tpu.yield
    }) : () -> ()
    return
  }
}

module attributes {stable_mosaic.version = 14 : i64} {
  func.func @_tc_body(%arg0: i32, %arg1: memref<2048x128xf32, #tpu.memory_space<vmem>>, %arg2: memref<2048x128xf32, #tpu.memory_space<vmem>>, %arg3: memref<2048x128xf32, #tpu.memory_space<vmem>>, %arg4: memref<2048xi32, #tpu.memory_space<vmem>>, %arg5: memref<2048xf32, #tpu.memory_space<vmem>>, %arg6: memref<2048xf32, #tpu.memory_space<vmem>>, %arg7: memref<8x64xf32, #tpu.memory_space<vmem>>, %arg8: memref<64x192xf32, #tpu.memory_space<vmem>>, %arg9: memref<384x192xf32, #tpu.memory_space<vmem>>, %arg10: memref<192xf32, #tpu.memory_space<vmem>>, %arg11: memref<192xf32, #tpu.memory_space<vmem>>, %arg12: memref<192xf32, #tpu.memory_space<vmem>>, %arg13: memref<2048x192xf32, #tpu.memory_space<vmem>>) attributes {dimension_semantics = [#tpu.dimension_semantics<arbitrary>], iteration_bounds = array<i64: 50>, scalar_prefetch = 0 : i64, scratch_operands = 0 : i64, tpu.core_type = #tpu.core_type<tc>, window_params = [{transform_indices = @transform_0, window_bounds = array<i64: 2048, 128>}, {transform_indices = @transform_1, window_bounds = array<i64: 2048, 128>}, {transform_indices = @transform_2, window_bounds = array<i64: 2048, 128>}, {transform_indices = @transform_3, window_bounds = array<i64: 2048>}, {transform_indices = @transform_4, window_bounds = array<i64: 2048>}, {transform_indices = @transform_5, window_bounds = array<i64: 2048>}, {pipeline_mode = #tpu.pipeline_mode<synchronous>, transform_indices = @transform_6, window_bounds = array<i64: 8, 64>}, {pipeline_mode = #tpu.pipeline_mode<synchronous>, transform_indices = @transform_7, window_bounds = array<i64: 64, 192>}, {pipeline_mode = #tpu.pipeline_mode<synchronous>, transform_indices = @transform_8, window_bounds = array<i64: 384, 192>}, {pipeline_mode = #tpu.pipeline_mode<synchronous>, transform_indices = @transform_9, window_bounds = array<i64: 192>}, {pipeline_mode = #tpu.pipeline_mode<synchronous>, transform_indices = @transform_10, window_bounds = array<i64: 192>}, {pipeline_mode = #tpu.pipeline_mode<synchronous>, transform_indices = @transform_11, window_bounds = array<i64: 192>}, {transform_indices = @transform_12, window_bounds = array<i64: 2048, 192>}]} {
    %get3A = arith.constant 0 : index
    %get3A_0 = arith.constant 0 : index
    %get3A_1 = vector.load %arg9[%get3A, %get3A_0] : memref<384x192xf32, #tpu.memory_space<vmem>>, vector<384x192xf32>
    %get3A_2 = arith.constant 0 : index
    %get3A_3 = arith.constant 0 : index
    %get3A_4 = vector.load %arg1[%get3A_2, %get3A_3] : memref<2048x128xf32, #tpu.memory_space<vmem>>, vector<2048x128xf32>
    %slice3A = vector.extract_strided_slice %get3A_1 {offsets = [0, 0], sizes = [128, 192], strides = [1, 1]} : vector<384x192xf32> to vector<128x192xf32>
    %dot_general3A = arith.constant dense<0.000000e+00> : vector<2048x192xf32>
    %dot_general3A_5 = tpu.matmul %get3A_4, %slice3A, %dot_general3A {dimension_numbers = #tpu.dot_dimension_numbers<[1], [0], [0], [1], [0, 0, 1, 1], [], []>, transpose_lhs_hint = false} : vector<2048x128xf32>, vector<128x192xf32>, vector<2048x192xf32> -> vector<2048x192xf32>
    %get3A_6 = arith.constant 0 : index
    %get3A_7 = arith.constant 0 : index
    %get3A_8 = vector.load %arg2[%get3A_6, %get3A_7] : memref<2048x128xf32, #tpu.memory_space<vmem>>, vector<2048x128xf32>
    %slice3A_9 = vector.extract_strided_slice %get3A_1 {offsets = [128, 0], sizes = [128, 192], strides = [1, 1]} : vector<384x192xf32> to vector<128x192xf32>
    %dot_general3A_10 = arith.constant dense<0.000000e+00> : vector<2048x192xf32>
    %dot_general3A_11 = tpu.matmul %get3A_8, %slice3A_9, %dot_general3A_10 {dimension_numbers = #tpu.dot_dimension_numbers<[1], [0], [0], [1], [0, 0, 1, 1], [], []>, transpose_lhs_hint = false} : vector<2048x128xf32>, vector<128x192xf32>, vector<2048x192xf32> -> vector<2048x192xf32>
    %add3A = arith.addf %dot_general3A_5, %dot_general3A_11 : vector<2048x192xf32>
    %get3A_12 = arith.constant 0 : index
    %get3A_13 = arith.constant 0 : index
    %get3A_14 = vector.load %arg3[%get3A_12, %get3A_13] : memref<2048x128xf32, #tpu.memory_space<vmem>>, vector<2048x128xf32>
    %slice3A_15 = vector.extract_strided_slice %get3A_1 {offsets = [256, 0], sizes = [128, 192], strides = [1, 1]} : vector<384x192xf32> to vector<128x192xf32>
    %dot_general3A_16 = arith.constant dense<0.000000e+00> : vector<2048x192xf32>
    %dot_general3A_17 = tpu.matmul %get3A_14, %slice3A_15, %dot_general3A_16 {dimension_numbers = #tpu.dot_dimension_numbers<[1], [0], [0], [1], [0, 0, 1, 1], [], []>, transpose_lhs_hint = false} : vector<2048x128xf32>, vector<128x192xf32>, vector<2048x192xf32> -> vector<2048x192xf32>
    %add3A_18 = arith.addf %add3A, %dot_general3A_17 : vector<2048x192xf32>
    %get3A_19 = arith.constant 0 : index
    %get3A_20 = arith.constant 0 : index
    %get3A_21 = vector.load %arg7[%get3A_19, %get3A_20] : memref<8x64xf32, #tpu.memory_space<vmem>>, vector<8x64xf32>
    %get3A_22 = arith.constant 0 : index
    %get3A_23 = arith.constant 0 : index
    %get3A_24 = vector.load %arg8[%get3A_22, %get3A_23] : memref<64x192xf32, #tpu.memory_space<vmem>>, vector<64x192xf32>
    %dot_general3A_25 = arith.constant dense<0.000000e+00> : vector<8x192xf32>
    %dot_general3A_26 = tpu.matmul %get3A_21, %get3A_24, %dot_general3A_25 {dimension_numbers = #tpu.dot_dimension_numbers<[1], [0], [0], [1], [0, 0, 1, 1], [], []>, transpose_lhs_hint = false} : vector<8x64xf32>, vector<64x192xf32>, vector<8x192xf32> -> vector<8x192xf32>
    %iota3A = tpu.iota {dimensions = array<i32: 1>} : vector<1x8xi32>
    %get3A_27 = arith.constant 0 : index
    %get3A_28 = vector.load %arg4[%get3A_27] : memref<2048xi32, #tpu.memory_space<vmem>>, vector<2048xi32>
    %broadcast_in_dim3A = vector.shape_cast %get3A_28 : vector<2048xi32> to vector<2048x1xi32>
    %eq3A = vector.broadcast %broadcast_in_dim3A : vector<2048x1xi32> to vector<2048x8xi32>
    %eq3A_29 = vector.broadcast %iota3A : vector<1x8xi32> to vector<2048x8xi32>
    %eq3A_30 = arith.cmpi eq, %eq3A, %eq3A_29 : vector<2048x8xi32>
    %jit3A = arith.constant 1.000000e+00 : f32
    %jit3A_31 = arith.constant 0.000000e+00 : f32
    %broadcast_in_dim3A_32 = vector.broadcast %jit3A : f32 to vector<2048x8xf32>
    %broadcast_in_dim3A_33 = vector.broadcast %jit3A_31 : f32 to vector<2048x8xf32>
    %select_n3A = arith.select %eq3A_30, %broadcast_in_dim3A_32, %broadcast_in_dim3A_33 : vector<2048x8xi1>, vector<2048x8xf32>
    %dot_general3A_34 = arith.constant dense<0.000000e+00> : vector<2048x192xf32>
    %dot_general3A_35 = tpu.matmul %select_n3A, %dot_general3A_26, %dot_general3A_34 {dimension_numbers = #tpu.dot_dimension_numbers<[1], [0], [0], [1], [0, 0, 1, 1], [], []>, transpose_lhs_hint = false} : vector<2048x8xf32>, vector<8x192xf32>, vector<2048x192xf32> -> vector<2048x192xf32>
    %add3A_36 = arith.addf %add3A_18, %dot_general3A_35 : vector<2048x192xf32>
    %get3A_37 = arith.constant 0 : index
    %get3A_38 = vector.load %arg5[%get3A_37] : memref<2048xf32, #tpu.memory_space<vmem>>, vector<2048xf32>
    %broadcast_in_dim3A_39 = vector.shape_cast %get3A_38 : vector<2048xf32> to vector<2048x1xf32>
    %get3A_40 = arith.constant 0 : index
    %get3A_41 = vector.load %arg6[%get3A_40] : memref<2048xf32, #tpu.memory_space<vmem>>, vector<2048xf32>
    %broadcast_in_dim3A_42 = vector.shape_cast %get3A_41 : vector<2048xf32> to vector<2048x1xf32>
    %get3A_43 = arith.constant 0 : index
    %get3A_44 = vector.load %arg10[%get3A_43] : memref<192xf32, #tpu.memory_space<vmem>>, vector<192xf32>
    %broadcast_in_dim3A_45 = vector.shape_cast %get3A_44 : vector<192xf32> to vector<1x192xf32>
    %mul3A = vector.broadcast %broadcast_in_dim3A_39 : vector<2048x1xf32> to vector<2048x192xf32>
    %mul3A_46 = vector.broadcast %broadcast_in_dim3A_45 : vector<1x192xf32> to vector<2048x192xf32>
    %mul3A_47 = arith.mulf %mul3A, %mul3A_46 : vector<2048x192xf32>
    %add3A_48 = arith.addf %add3A_36, %mul3A_47 : vector<2048x192xf32>
    %get3A_49 = arith.constant 0 : index
    %get3A_50 = vector.load %arg11[%get3A_49] : memref<192xf32, #tpu.memory_space<vmem>>, vector<192xf32>
    %broadcast_in_dim3A_51 = vector.shape_cast %get3A_50 : vector<192xf32> to vector<1x192xf32>
    %mul3A_52 = vector.broadcast %broadcast_in_dim3A_42 : vector<2048x1xf32> to vector<2048x192xf32>
    %mul3A_53 = vector.broadcast %broadcast_in_dim3A_51 : vector<1x192xf32> to vector<2048x192xf32>
    %mul3A_54 = arith.mulf %mul3A_52, %mul3A_53 : vector<2048x192xf32>
    %add3A_55 = arith.addf %add3A_48, %mul3A_54 : vector<2048x192xf32>
    %get3A_56 = arith.constant 0 : index
    %get3A_57 = vector.load %arg12[%get3A_56] : memref<192xf32, #tpu.memory_space<vmem>>, vector<192xf32>
    %broadcast_in_dim3A_58 = vector.shape_cast %get3A_57 : vector<192xf32> to vector<1x192xf32>
    %add3A_59 = vector.broadcast %broadcast_in_dim3A_58 : vector<1x192xf32> to vector<2048x192xf32>
    %add3A_60 = arith.addf %add3A_55, %add3A_59 : vector<2048x192xf32>
    %swap3A = arith.constant 0 : index
    %swap3A_61 = arith.constant 0 : index
    %swap3A_62 = vector.load %arg13[%swap3A, %swap3A_61] : memref<2048x192xf32, #tpu.memory_space<vmem>>, vector<2048x192xf32>
    tpu.vector_store %arg13[%swap3A, %swap3A_61], %add3A_60 {strides = array<i32>} : memref<2048x192xf32, #tpu.memory_space<vmem>>, vector<2048x192xf32>,
    return
  }
  func.func @transform_0(%arg0: i32) -> (i32, i32) {
    %c0_i32 = arith.constant 0 : i32
    %c0_i32_0 = arith.constant 0 : i32
    return %arg0, %c0_i32 : i32, i32
  }
  func.func @transform_1(%arg0: i32) -> (i32, i32) {
    %c0_i32 = arith.constant 0 : i32
    %c0_i32_0 = arith.constant 0 : i32
    return %arg0, %c0_i32 : i32, i32
  }
  func.func @transform_2(%arg0: i32) -> (i32, i32) {
    %c0_i32 = arith.constant 0 : i32
    %c0_i32_0 = arith.constant 0 : i32
    return %arg0, %c0_i32 : i32, i32
  }
  func.func @transform_3(%arg0: i32) -> i32 {
    %add3A = arith.constant 0 : i32
    %add3A_0 = arith.addi %arg0, %add3A : i32
    %c0_i32 = arith.constant 0 : i32
    return %add3A_0 : i32
  }
  func.func @transform_4(%arg0: i32) -> i32 {
    %add3A = arith.constant 0 : i32
    %add3A_0 = arith.addi %arg0, %add3A : i32
    %c0_i32 = arith.constant 0 : i32
    return %add3A_0 : i32
  }
  func.func @transform_5(%arg0: i32) -> i32 {
    %add3A = arith.constant 0 : i32
    %add3A_0 = arith.addi %arg0, %add3A : i32
    %c0_i32 = arith.constant 0 : i32
    return %add3A_0 : i32
  }
  func.func @transform_6(%arg0: i32) -> (i32, i32) {
    %c0_i32 = arith.constant 0 : i32
    %c0_i32_0 = arith.constant 0 : i32
    %c0_i32_1 = arith.constant 0 : i32
    return %c0_i32, %c0_i32_0 : i32, i32
  }
  func.func @transform_7(%arg0: i32) -> (i32, i32) {
    %c0_i32 = arith.constant 0 : i32
    %c0_i32_0 = arith.constant 0 : i32
    %c0_i32_1 = arith.constant 0 : i32
    return %c0_i32, %c0_i32_0 : i32, i32
  }
  func.func @transform_8(%arg0: i32) -> (i32, i32) {
    %c0_i32 = arith.constant 0 : i32
    %c0_i32_0 = arith.constant 0 : i32
    %c0_i32_1 = arith.constant 0 : i32
    return %c0_i32, %c0_i32_0 : i32, i32
  }
  func.func @transform_9(%arg0: i32) -> i32 {
    %c0_i32 = arith.constant 0 : i32
    %c0_i32_0 = arith.constant 0 : i32
    return %c0_i32 : i32
  }
  func.func @transform_10(%arg0: i32) -> i32 {
    %c0_i32 = arith.constant 0 : i32
    %c0_i32_0 = arith.constant 0 : i32
    return %c0_i32 : i32
  }
  func.func @transform_11(%arg0: i32) -> i32 {
    %c0_i32 = arith.constant 0 : i32
    %c0_i32_0 = arith.constant 0 : i32
    return %c0_i32 : i32
  }
  func.func @transform_12(%arg0: i32) -> (i32, i32) {
    %add3A = arith.constant 0 : i32
    %add3A_0 = arith.addi %arg0, %add3A : i32
    %c0_i32 = arith.constant 0 : i32
    %c0_i32_1 = arith.constant 0 : i32
    return %add3A_0, %c0_i32 : i32, i32
  }
}

module attributes {stable_mosaic.version = 14 : i64} {
  func.func @_tc_body(%arg0: i32, %arg1: memref<2048x128xf32, #tpu.memory_space<vmem>>, %arg2: memref<2048x128xf32, #tpu.memory_space<vmem>>, %arg3: memref<2048x128xf32, #tpu.memory_space<vmem>>, %arg4: memref<2048xi32, #tpu.memory_space<vmem>>, %arg5: memref<2048xf32, #tpu.memory_space<vmem>>, %arg6: memref<2048xf32, #tpu.memory_space<vmem>>, %arg7: memref<8x64xf32, #tpu.memory_space<vmem>>, %arg8: memref<64x192xf32, #tpu.memory_space<vmem>>, %arg9: memref<384x192xf32, #tpu.memory_space<vmem>>, %arg10: memref<192xf32, #tpu.memory_space<vmem>>, %arg11: memref<192xf32, #tpu.memory_space<vmem>>, %arg12: memref<192xf32, #tpu.memory_space<vmem>>, %arg13: memref<204800x192xf32, #tpu.memory_space<any>>, %arg14: memref<2048x192xf32, #tpu.memory_space<vmem>>) attributes {dimension_semantics = [#tpu.dimension_semantics<arbitrary>], iteration_bounds = array<i64: 50>, scalar_prefetch = 0 : i64, scratch_operands = 0 : i64, tpu.core_type = #tpu.core_type<tc>, window_params = [{transform_indices = @transform_0, window_bounds = array<i64: 2048, 128>}, {transform_indices = @transform_1, window_bounds = array<i64: 2048, 128>}, {transform_indices = @transform_2, window_bounds = array<i64: 2048, 128>}, {transform_indices = @transform_3, window_bounds = array<i64: 2048>}, {transform_indices = @transform_4, window_bounds = array<i64: 2048>}, {transform_indices = @transform_5, window_bounds = array<i64: 2048>}, {pipeline_mode = #tpu.pipeline_mode<synchronous>, transform_indices = @transform_6, window_bounds = array<i64: 8, 64>}, {pipeline_mode = #tpu.pipeline_mode<synchronous>, transform_indices = @transform_7, window_bounds = array<i64: 64, 192>}, {pipeline_mode = #tpu.pipeline_mode<synchronous>, transform_indices = @transform_8, window_bounds = array<i64: 384, 192>}, {pipeline_mode = #tpu.pipeline_mode<synchronous>, transform_indices = @transform_9, window_bounds = array<i64: 192>}, {pipeline_mode = #tpu.pipeline_mode<synchronous>, transform_indices = @transform_10, window_bounds = array<i64: 192>}, {pipeline_mode = #tpu.pipeline_mode<synchronous>, transform_indices = @transform_11, window_bounds = array<i64: 192>}, {}, {transform_indices = @transform_13, window_bounds = array<i64: 2048, 192>}]} {
    %get3A = arith.constant 0 : index
    %get3A_0 = arith.constant 0 : index
    %get3A_1 = vector.load %arg9[%get3A, %get3A_0] : memref<384x192xf32, #tpu.memory_space<vmem>>, vector<384x192xf32>
    %get3A_2 = arith.constant 0 : index
    %get3A_3 = arith.constant 0 : index
    %get3A_4 = vector.load %arg1[%get3A_2, %get3A_3] : memref<2048x128xf32, #tpu.memory_space<vmem>>, vector<2048x128xf32>
    %slice3A = vector.extract_strided_slice %get3A_1 {offsets = [0, 0], sizes = [128, 192], strides = [1, 1]} : vector<384x192xf32> to vector<128x192xf32>
    %dot_general3A = arith.constant dense<0.000000e+00> : vector<2048x192xf32>
    %dot_general3A_5 = tpu.matmul %get3A_4, %slice3A, %dot_general3A {dimension_numbers = #tpu.dot_dimension_numbers<[1], [0], [0], [1], [0, 0, 1, 1], [], []>, transpose_lhs_hint = false} : vector<2048x128xf32>, vector<128x192xf32>, vector<2048x192xf32> -> vector<2048x192xf32>
    %get3A_6 = arith.constant 0 : index
    %get3A_7 = arith.constant 0 : index
    %get3A_8 = vector.load %arg2[%get3A_6, %get3A_7] : memref<2048x128xf32, #tpu.memory_space<vmem>>, vector<2048x128xf32>
    %slice3A_9 = vector.extract_strided_slice %get3A_1 {offsets = [128, 0], sizes = [128, 192], strides = [1, 1]} : vector<384x192xf32> to vector<128x192xf32>
    %dot_general3A_10 = arith.constant dense<0.000000e+00> : vector<2048x192xf32>
    %dot_general3A_11 = tpu.matmul %get3A_8, %slice3A_9, %dot_general3A_10 {dimension_numbers = #tpu.dot_dimension_numbers<[1], [0], [0], [1], [0, 0, 1, 1], [], []>, transpose_lhs_hint = false} : vector<2048x128xf32>, vector<128x192xf32>, vector<2048x192xf32> -> vector<2048x192xf32>
    %add3A = arith.addf %dot_general3A_5, %dot_general3A_11 : vector<2048x192xf32>
    %get3A_12 = arith.constant 0 : index
    %get3A_13 = arith.constant 0 : index
    %get3A_14 = vector.load %arg3[%get3A_12, %get3A_13] : memref<2048x128xf32, #tpu.memory_space<vmem>>, vector<2048x128xf32>
    %slice3A_15 = vector.extract_strided_slice %get3A_1 {offsets = [256, 0], sizes = [128, 192], strides = [1, 1]} : vector<384x192xf32> to vector<128x192xf32>
    %dot_general3A_16 = arith.constant dense<0.000000e+00> : vector<2048x192xf32>
    %dot_general3A_17 = tpu.matmul %get3A_14, %slice3A_15, %dot_general3A_16 {dimension_numbers = #tpu.dot_dimension_numbers<[1], [0], [0], [1], [0, 0, 1, 1], [], []>, transpose_lhs_hint = false} : vector<2048x128xf32>, vector<128x192xf32>, vector<2048x192xf32> -> vector<2048x192xf32>
    %add3A_18 = arith.addf %add3A, %dot_general3A_17 : vector<2048x192xf32>
    %get3A_19 = arith.constant 0 : index
    %get3A_20 = arith.constant 0 : index
    %get3A_21 = vector.load %arg7[%get3A_19, %get3A_20] : memref<8x64xf32, #tpu.memory_space<vmem>>, vector<8x64xf32>
    %get3A_22 = arith.constant 0 : index
    %get3A_23 = arith.constant 0 : index
    %get3A_24 = vector.load %arg8[%get3A_22, %get3A_23] : memref<64x192xf32, #tpu.memory_space<vmem>>, vector<64x192xf32>
    %dot_general3A_25 = arith.constant dense<0.000000e+00> : vector<8x192xf32>
    %dot_general3A_26 = tpu.matmul %get3A_21, %get3A_24, %dot_general3A_25 {dimension_numbers = #tpu.dot_dimension_numbers<[1], [0], [0], [1], [0, 0, 1, 1], [], []>, transpose_lhs_hint = false} : vector<8x64xf32>, vector<64x192xf32>, vector<8x192xf32> -> vector<8x192xf32>
    %iota3A = tpu.iota {dimensions = array<i32: 1>} : vector<1x8xi32>
    %get3A_27 = arith.constant 0 : index
    %get3A_28 = vector.load %arg4[%get3A_27] : memref<2048xi32, #tpu.memory_space<vmem>>, vector<2048xi32>
    %broadcast_in_dim3A = vector.shape_cast %get3A_28 : vector<2048xi32> to vector<2048x1xi32>
    %eq3A = vector.broadcast %broadcast_in_dim3A : vector<2048x1xi32> to vector<2048x8xi32>
    %eq3A_29 = vector.broadcast %iota3A : vector<1x8xi32> to vector<2048x8xi32>
    %eq3A_30 = arith.cmpi eq, %eq3A, %eq3A_29 : vector<2048x8xi32>
    %jit3A = arith.constant 1.000000e+00 : f32
    %jit3A_31 = arith.constant 0.000000e+00 : f32
    %broadcast_in_dim3A_32 = vector.broadcast %jit3A : f32 to vector<2048x8xf32>
    %broadcast_in_dim3A_33 = vector.broadcast %jit3A_31 : f32 to vector<2048x8xf32>
    %select_n3A = arith.select %eq3A_30, %broadcast_in_dim3A_32, %broadcast_in_dim3A_33 : vector<2048x8xi1>, vector<2048x8xf32>
    %dot_general3A_34 = arith.constant dense<0.000000e+00> : vector<2048x192xf32>
    %dot_general3A_35 = tpu.matmul %select_n3A, %dot_general3A_26, %dot_general3A_34 {dimension_numbers = #tpu.dot_dimension_numbers<[1], [0], [0], [1], [0, 0, 1, 1], [], []>, transpose_lhs_hint = false} : vector<2048x8xf32>, vector<8x192xf32>, vector<2048x192xf32> -> vector<2048x192xf32>
    %add3A_36 = arith.addf %add3A_18, %dot_general3A_35 : vector<2048x192xf32>
    %get3A_37 = arith.constant 0 : index
    %get3A_38 = vector.load %arg5[%get3A_37] : memref<2048xf32, #tpu.memory_space<vmem>>, vector<2048xf32>
    %broadcast_in_dim3A_39 = vector.shape_cast %get3A_38 : vector<2048xf32> to vector<2048x1xf32>
    %get3A_40 = arith.constant 0 : index
    %get3A_41 = vector.load %arg6[%get3A_40] : memref<2048xf32, #tpu.memory_space<vmem>>, vector<2048xf32>
    %broadcast_in_dim3A_42 = vector.shape_cast %get3A_41 : vector<2048xf32> to vector<2048x1xf32>
    %get3A_43 = arith.constant 0 : index
    %get3A_44 = vector.load %arg10[%get3A_43] : memref<192xf32, #tpu.memory_space<vmem>>, vector<192xf32>
    %broadcast_in_dim3A_45 = vector.shape_cast %get3A_44 : vector<192xf32> to vector<1x192xf32>
    %mul3A = vector.broadcast %broadcast_in_dim3A_39 : vector<2048x1xf32> to vector<2048x192xf32>
    %mul3A_46 = vector.broadcast %broadcast_in_dim3A_45 : vector<1x192xf32> to vector<2048x192xf32>
    %mul3A_47 = arith.mulf %mul3A, %mul3A_46 : vector<2048x192xf32>
    %add3A_48 = arith.addf %add3A_36, %mul3A_47 : vector<2048x192xf32>
    %get3A_49 = arith.constant 0 : index
    %get3A_50 = vector.load %arg11[%get3A_49] : memref<192xf32, #tpu.memory_space<vmem>>, vector<192xf32>
    %broadcast_in_dim3A_51 = vector.shape_cast %get3A_50 : vector<192xf32> to vector<1x192xf32>
    %mul3A_52 = vector.broadcast %broadcast_in_dim3A_42 : vector<2048x1xf32> to vector<2048x192xf32>
    %mul3A_53 = vector.broadcast %broadcast_in_dim3A_51 : vector<1x192xf32> to vector<2048x192xf32>
    %mul3A_54 = arith.mulf %mul3A_52, %mul3A_53 : vector<2048x192xf32>
    %add3A_55 = arith.addf %add3A_48, %mul3A_54 : vector<2048x192xf32>
    %get3A_56 = arith.constant 0 : index
    %get3A_57 = vector.load %arg12[%get3A_56] : memref<192xf32, #tpu.memory_space<vmem>>, vector<192xf32>
    %broadcast_in_dim3A_58 = vector.shape_cast %get3A_57 : vector<192xf32> to vector<1x192xf32>
    %add3A_59 = vector.broadcast %broadcast_in_dim3A_58 : vector<1x192xf32> to vector<2048x192xf32>
    %add3A_60 = arith.addf %add3A_55, %add3A_59 : vector<2048x192xf32>
    %swap3A = arith.constant 0 : index
    %swap3A_61 = arith.constant 0 : index
    %swap3A_62 = vector.load %arg14[%swap3A, %swap3A_61] : memref<2048x192xf32, #tpu.memory_space<vmem>>, vector<2048x192xf32>
    tpu.vector_store %arg14[%swap3A, %swap3A_61], %add3A_60 {strides = array<i32>} : memref<2048x192xf32, #tpu.memory_space<vmem>>, vector<2048x192xf32>,
    return
  }
  func.func @transform_0(%arg0: i32) -> (i32, i32) {
    %c0_i32 = arith.constant 0 : i32
    %c0_i32_0 = arith.constant 0 : i32
    return %arg0, %c0_i32 : i32, i32
  }
  func.func @transform_1(%arg0: i32) -> (i32, i32) {
    %c0_i32 = arith.constant 0 : i32
    %c0_i32_0 = arith.constant 0 : i32
    return %arg0, %c0_i32 : i32, i32
  }
  func.func @transform_2(%arg0: i32) -> (i32, i32) {
    %c0_i32 = arith.constant 0 : i32
    %c0_i32_0 = arith.constant 0 : i32
    return %arg0, %c0_i32 : i32, i32
  }
  func.func @transform_3(%arg0: i32) -> i32 {
    %add3A = arith.constant 50 : i32
    %add3A_0 = arith.addi %arg0, %add3A : i32
    %c0_i32 = arith.constant 0 : i32
    return %add3A_0 : i32
  }
  func.func @transform_4(%arg0: i32) -> i32 {
    %add3A = arith.constant 50 : i32
    %add3A_0 = arith.addi %arg0, %add3A : i32
    %c0_i32 = arith.constant 0 : i32
    return %add3A_0 : i32
  }
  func.func @transform_5(%arg0: i32) -> i32 {
    %add3A = arith.constant 50 : i32
    %add3A_0 = arith.addi %arg0, %add3A : i32
    %c0_i32 = arith.constant 0 : i32
    return %add3A_0 : i32
  }
  func.func @transform_6(%arg0: i32) -> (i32, i32) {
    %c0_i32 = arith.constant 0 : i32
    %c0_i32_0 = arith.constant 0 : i32
    %c0_i32_1 = arith.constant 0 : i32
    return %c0_i32, %c0_i32_0 : i32, i32
  }
  func.func @transform_7(%arg0: i32) -> (i32, i32) {
    %c0_i32 = arith.constant 0 : i32
    %c0_i32_0 = arith.constant 0 : i32
    %c0_i32_1 = arith.constant 0 : i32
    return %c0_i32, %c0_i32_0 : i32, i32
  }
  func.func @transform_8(%arg0: i32) -> (i32, i32) {
    %c0_i32 = arith.constant 0 : i32
    %c0_i32_0 = arith.constant 0 : i32
    %c0_i32_1 = arith.constant 0 : i32
    return %c0_i32, %c0_i32_0 : i32, i32
  }
  func.func @transform_9(%arg0: i32) -> i32 {
    %c0_i32 = arith.constant 0 : i32
    %c0_i32_0 = arith.constant 0 : i32
    return %c0_i32 : i32
  }
  func.func @transform_10(%arg0: i32) -> i32 {
    %c0_i32 = arith.constant 0 : i32
    %c0_i32_0 = arith.constant 0 : i32
    return %c0_i32 : i32
  }
  func.func @transform_11(%arg0: i32) -> i32 {
    %c0_i32 = arith.constant 0 : i32
    %c0_i32_0 = arith.constant 0 : i32
    return %c0_i32 : i32
  }
  func.func @transform_13(%arg0: i32) -> (i32, i32) {
    %add3A = arith.constant 50 : i32
    %add3A_0 = arith.addi %arg0, %add3A : i32
    %c0_i32 = arith.constant 0 : i32
    %c0_i32_1 = arith.constant 0 : i32
    return %add3A_0, %c0_i32 : i32, i32
  }
}

</mosaic_0001>

<sc_bundles>
// kernel: kernel.6.cloned.1.call-start
scs
__scs_entry_jumppad:
0x0: {  	(pc) =	sbr.rel $0x88, $3  }
0x1: {  	(tag) =	ssettag $0x0;
	lr =	simm.s32 $0x1  }
0x2: {  	[smem:$0x3F95] =	sst lr;
	_ =	strace $0xD0000000  }
0x3: {  	_ = 	snop  }
0x4: {  	_ = 	snop  }
0x5: {  	_ = 	snop  }
0x6: {  	_ = 	snop  }
0x7: {  	_ = 	snop  }
__scs_overlays_trampoline_lowered:
0x8: {  	[smem:$0x3FA4] =	sst s0  }
0x9: {  	[smem:$0x3FA5] =	sst s1  }
0xa: {  	[smem:$0x3FA6] =	sst s2  }
0xb: {  	[smem:$0x3FA7] =	sst s3  }
0xc: {  	[smem:$0x3FA8] =	sst s4  }
0xd: {  	[smem:$0x3FA9] =	sst s5  }
0xe: {  	[smem:$0x3FAA] =	sst s6  }
0xf: {  	[smem:$0x3FAB] =	sst s7  }
0x10: {  	[smem:$0x3FAC] =	sst s8  }
0x11: {  	[smem:$0x3FAD] =	sst s9;
	s0 =	simm.s32 @!p0 $0x0  }
0x12: {  	s1 =	sld [smem:$0x3F93];
	s0 =	simm.s32 @p0 $0x1  }
0x13: {  	[smem:$0x3FAE] =	sst s0;
	s0 =	simm.s32 @!p1 $0x0  }
0x14: {  	s2 =	sld [smem:$0x3F92];
	s0 =	simm.s32 @p1 $0x1  }
0x15: {  	[smem:$0x3FAF] =	sst s0;
	s0 =	simm.s32 @!p2 $0x0  }
0x16: {  	s3 =	sld [smem:$0x3FDB];
	s0 =	simm.s32 @p2 $0x1  }
0x17: {  	s4 =	simm.s32 $0x1BF5;
	[smem:$0x3FB1] =	sst s0  }
0x18: {  	s0 =	sld [smem:$0x3F94];
	_ =	swait.ge [sflag:s4], $0x0  }
0x19: {  	s7 =	sld [smem:$0x3F95]  }
0x1a: {  	s8 =	sadd.s32 $0xFFFFE003, lr  }
0x1b: {  	s9 =	sadd.s32 $0xFFFFFEF7, lr;
	s5 =	simm.s32 $0xFFFFFFFF;
	p2 =	slt.u32 s8, $0xFFFFF086  }
0x1c: {  	p1 =	slt.u32 s9, $0xF7A;
	s5 =	simm.s32 @!p2 $0x0  }
0x1d: {  	s5 =	simm.s32 @p1 $0x1;
	p0 =	seq.s32 s7, s2  }
0x1e: {  	s7 =	smul.u32 @!p0 $0xF7A, s2;
	p2 =	seq.s32 @!p0 s5, $0x0  }
0x1f: {  	s9 =	smul.u32 $0xF7A, s1;
	s8 =	simm.s32 @!p0 $0x1BF5;
	p2 =	por !p2, p0  }
0x20: {  	[sflag:s8] =	ssyncset.s32 @!p0 $0xFFFFF086;
	s6 =	sadd.s32 @!p0 s3, s7;
	s7 =	simm.s32 @!p0 $0x108  }
0x21: {  	s3 =	sadd.s32 s3, s9;
	s6 =	sadd.s32 @!p0 $0x88, s6;
	s7 =	simm.s32 @p2 $0x1082  }
0x22: {  	[simem:s7], [sflag:s8] =	dma.local @!p0 [hbm:s6], $0xF7A  }
0x23: {  	s9 =	sor.u32 $0xD0000000, s2;
	s6 =	simm.s32 $0x108;
	_ =	swait.ge @!p0 [sflag:s8], $0x0  }
0x24: {  	s3 =	sadd.s32 $0x88, s3;
	s6 =	simm.s32 @!p1 $0x1082;
	[sflag:s4] =	ssyncset.s32 $0xFFFFF086  }
0x25: {  	[simem:s6], [sflag:s4] =	dma.local [hbm:s3], $0xF7A  }
0x26: {  	[smem:$0x3F95] =	sst s1;
	(tag) =	ssettag s2;
	_ =	strace s9  }
0x27: {  	s1 =	sld [smem:$0x3FA5]  }
0x28: {  	s2 =	sld [smem:$0x3FA6]  }
0x29: {  	s4 =	sld [smem:$0x3FA8]  }
0x2a: {  	p0 =	seq.s32 s5, $0x0;
	s5 =	sld [smem:$0x3FA9]  }
0x2b: {  	s6 =	sld [smem:$0x3FAA]  }
0x2c: {  	s7 =	sld [smem:$0x3FAB]  }
0x2d: {  	s3 =	simm.s32 $0x108;
	s8 =	sld [smem:$0x3FAC]  }
0x2e: {  	s3 =	simm.s32 @!p0 $0x1082;
	s9 =	sld [smem:$0x3FAD]  }
0x2f: {  	lr =	sadd.s32 s0, s3;
	s0 =	sld [smem:$0x3FA4]  }
0x30: {  	s3 =	sld [smem:$0x3FA7]  }
0x31: {  	[smem:$0x3FB0] =	sst s10  }
0x32: {  	s10 =	sld [smem:$0x3FAE];
	_ =	sdelay $0x3  }
0x33: {  	p0 =	seq.s32 s10, $0x1;
	s10 =	sld [smem:$0x3FB0];
	_ =	sdelay $0x3  }
0x34: {  	[smem:$0x3FB0] =	sst s10  }
0x35: {  	s10 =	sld [smem:$0x3FAF];
	_ =	sdelay $0x3  }
0x36: {  	p1 =	seq.s32 s10, $0x1;
	s10 =	sld [smem:$0x3FB0];
	_ =	sdelay $0x3  }
0x37: {  	[smem:$0x3FB0] =	sst s10  }
0x38: {  	s10 =	sld [smem:$0x3FB1]  }
0x39: {  	_ = 	snop;
	(pc) =	sbr.ind lr, $3  }
0x3a: {  	_ = 	snop  }
0x3b: {  	_ = 	snop  }
0x3c: {  	p2 =	seq.s32 s10, $0x1;
	s10 =	sld [smem:$0x3FB0]  }
0x3d: {  	_ =	shalt  }
0x3e: {  	_ =	shalt  }
0x3f: {  	_ =	shalt  }
0x40: {  	_ =	shalt  }
0x41: {  	_ =	shalt  }
0x42: {  	_ =	shalt  }
0x43: {  	_ =	shalt  }
0x44: {  	_ =	shalt  }
0x45: {  	_ =	shalt  }
0x46: {  	_ =	shalt  }
0x47: {  	_ =	shalt  }
0x48: {  	_ =	shalt  }
0x49: {  	_ =	shalt  }
0x4a: {  	_ =	shalt  }
0x4b: {  	_ =	shalt  }
0x4c: {  	_ =	shalt  }
0x4d: {  	_ =	shalt  }
0x4e: {  	_ =	shalt  }
0x4f: {  	_ =	shalt  }
0x50: {  	_ =	shalt  }
0x51: {  	_ =	shalt  }
0x52: {  	_ =	shalt  }
0x53: {  	_ =	shalt  }
0x54: {  	_ =	shalt  }
0x55: {  	_ =	shalt  }
0x56: {  	_ =	shalt  }
0x57: {  	_ =	shalt  }
0x58: {  	_ =	shalt  }
0x59: {  	_ =	shalt  }
0x5a: {  	_ =	shalt  }
0x5b: {  	_ =	shalt  }
0x5c: {  	_ =	shalt  }
0x5d: {  	_ =	shalt  }
0x5e: {  	_ =	shalt  }
0x5f: {  	_ =	shalt  }
0x60: {  	_ =	shalt  }
0x61: {  	_ =	shalt  }
0x62: {  	_ =	shalt  }
0x63: {  	_ =	shalt  }
0x64: {  	_ =	shalt  }
0x65: {  	_ =	shalt  }
0x66: {  	_ =	shalt  }
0x67: {  	_ =	shalt  }
0x68: {  	_ =	shalt  }
0x69: {  	_ =	shalt  }
0x6a: {  	_ =	shalt  }
0x6b: {  	_ =	shalt  }
0x6c: {  	_ =	shalt  }
0x6d: {  	_ =	shalt  }
0x6e: {  	_ =	shalt  }
0x6f: {  	_ =	shalt  }
0x70: {  	_ =	shalt  }
0x71: {  	_ =	shalt  }
0x72: {  	_ =	shalt  }
0x73: {  	_ =	shalt  }
0x74: {  	_ =	shalt  }
0x75: {  	_ =	shalt  }
0x76: {  	_ =	shalt  }
0x77: {  	_ =	shalt  }
0x78: {  	_ =	shalt  }
0x79: {  	_ =	shalt  }
0x7a: {  	_ =	shalt  }
0x7b: {  	_ =	shalt  }
0x7c: {  	_ =	shalt  }
0x7d: {  	_ =	shalt  }
0x7e: {  	_ =	shalt  }
0x7f: {  	_ =	shalt  }
0x80: {  	_ =	shalt  }
0x81: {  	_ =	shalt  }
0x82: {  	_ =	shalt  }
0x83: {  	_ =	shalt  }
0x84: {  	_ =	shalt  }
0x85: {  	_ =	shalt  }
0x86: {  	_ =	shalt  }
0x87: {  	_ =	shalt  }
.Lfunc_end0:
.L_simem_size_0:
called_computation.1_lowered:
.L_overlay_start_0:
0x88: {  	s2 =	sld [smem:$0x3FD9]  }
0x89: {  	s3 =	sld [smem:$0x3FFE];
	_ =	sdelay $0x1  }
0x8a: {  	s1 =	srdreg.scid  }
0x8b: {  	s0 =	sand.u32 $0x1, s1  }
0x8c: {  	s16 =	sshll.u32 s0, $0xA;
	s2 =	sadd.s32 s3, s2  }
0x8d: {  	s2 =	sadd.s32 s2, s16  }
0x8e: {  	[smem:$0x3FBC] =	sst s2  }
0x8f: {  	_ = 	snop  }
0x90: {  	(tm) =	ssettm $0x1  }
0x91: {  	s17 =	sld [smem:$0x3FFB];
	_ =	sdelay $0x3  }
0x92: {  	_ =	strace s17  }
0x93: {  	s2 =	sld [smem:$0x3FFC];
	_ =	sdelay $0x3  }
0x94: {  	_ =	strace s2  }
0x95: {  	s2 =	sld [smem:$0x3FFD];
	_ =	sdelay $0x3  }
0x96: {  	_ =	strace s2  }
0x97: {  	_ =	strace $0x8FFFFFFF  }
0x98: {  	s18 =	sld [smem:$0x3FDB];
	_ =	sdelay $0x1  }
0x99: {  	s19 =	simm.s32 $_scs_section_size  }
0x9a: {  	s4 =	simm.s32 $_size__tile_overlayer_lowered;
	s5 =	simm.s32 $_tile_overlayer_lowered  }
0x9b: {  	s22 =	simm.s32 $0x1BFF;
	s21 =	sshll.u32 s5, $0x1;
	s2 =	sadd.s32 s19, s18  }
0x9c: {  	s6 =	simm.s32 $0x0;
	s20 =	sshll.u32 s4, $0x1;
	s4 =	sadd.s32 s21, s2  }
0x9d: {  	[timem:s6], [sflag:s22] =	dma.local [hbm:s4], s20  }
0x9e: {  	_ =	swait.ge [sflag:s22], s20  }
0x9f: {  	s3 =	ssub.s32 $0x0, s20;
	[sflag:s22] =	ssyncset.done $0x0  }
0xa0: {  	[sflag:s22] =	ssyncadd.s32 s3;
	_ =	sdelay $0x1  }
0xa1: {  	s23 =	simm.s32 $0x1B8B  }
0xa2: {  	_ =	swait.ge [sflag:s23], $0x1  }
0xa3: {  	[sflag:s23] =	ssyncset.done $0x0  }
0xa4: {  	s25 =	simm.s32 $0x1B8E;
	s24 =	sld [smem:$0x3FFE];
	[sflag:s23] =	ssyncadd.s32 $0xFFFFFFFF  }
0xa5: {  	s26 =	simm.s32 $execute0_lowered;
	[smem:$0x3FD2] =	sst s25  }
0xa6: {  	s4 =	sshll.u32 s26, $0x1;
	_ =	strace $0x80000046;
	[dreg:$0x1] =	wrdreg $0xFFFFFFFF  }
0xa7: {  	s28 =	simm.s32 $_size_execute0_lowered;
	s2 =	sadd.s32 s2, s4;
	[dreg:$0x0] =	wrdreg $0x0  }
0xa8: {  	s4 =	sshll.u32 s28, $0x1;
	[dreg:$0x2] =	wrdreg s2  }
0xa9: {  	[dreg:$0x3] =	wrdreg s4  }
0xaa: {  	[dreg:$0x4] =	wrdreg $0xC0  }
0xab: {  	_ =	task [dreg:s6], $0x5FFFF  }
0xac: {  	[dreg:$0x1] =	wrdreg $0xFFFFFFFF  }
0xad: {  	[dreg:$0x0] =	wrdreg $0x60  }
0xae: {  	[dreg:$0x2] =	wrdreg s24  }
0xaf: {  	[dreg:$0x3] =	wrdreg $0x9  }
0xb0: {  	_ =	task.clear_ibuf [dreg:s6], $0x4FFFF;
	_ =	strace $0x90000046  }
0xb1: {  	s29 =	simm.s32 $0x9;
	_ =	strace $0x80000048  }
0xb2: {  	_ =	swait.ge [sflag:s29], $0x1  }
0xb3: {  	[sflag:s29] =	ssyncadd.s32 $0xFFFFFFFF  }
0xb4: {  	_ =	strace $0x90000048  }
0xb5: {  	_ =	sfence  }
0xb6: {  	s30 =	sld [smem:$0x0];
	_ =	sdelay $0x2  }
0xb7: {  	s31 =	sshll.u32 s1, $0xD;
	s1 =	sshrl.u32 s1, $0x2  }
0xb8: {  	s3 =	sand.u32 $0x4000, s31;
	s1 =	sadd.s32 s1, s30  }
0xb9: {  	s0 =	sor.u32 s3, s0;
	s1 =	sshll.u32 s1, $0x11  }
0xba: {  	s0 =	sor.u32 s1, s0  }
0xbb: {  	s0 =	sadd.s32 $0x8F2B, s0  }
0xbc: {  	[sflag:s0] =	ssyncadd.remote.s32 $0x1  }
0xbd: {  	_ =	sfence.sel $0xFFFF  }
0xbe: {  	[dreg:$0x0] =	wrdreg $0xFFFFFFFF;
	(pc) =	sbr.abs _section_cstart, $3  }
0xbf: {  	[dreg:$0x1] =	wrdreg $0xFFFFFFFF  }
0xc0: {  	_ =	task.clear_ibuf [dreg:s6], $0x2FFFF;
	_ =	strace $0x9FFFFFFF  }
0xc1: {  	(tm) =	ssettm $0x7FFFFFFF  }
tec
execute0_lowered:
.L_overlay_start_1:
0x0: {  	(tag) =	ssettag $0x1  }
0x1: {  	s0 =	srdreg.scid;
	s17 =	stileid.u32  }
0x2: {  	s6 =	rddreg [dreg:$0x0];
	s2 =	simm.s32 $0x0;
	s28 =	simm.s32 $0xC580  }
0x3: {  	s29 =	simm.s32 $0x1;
	s30 =	simm.s32 $0x2;
	s31 =	simm.s32 $0x0  }
0x4: {  	s0 =	sand.u32 $0x1, s0;
	s1 =	sshll.u32 s17, $0x1;
	s4 =	sadd.s32 $0x19C600, s6  }
0x5: {  	[smem:$0x7FF] =	sst s2;
	s5 =	sadd.s32 $0x29C600, s6;
	s12 =	smul.u32 $0xC8000, s17  }
0x6: {  	s15 =	sadd.s32 $0x39C600, s6;
	s17 =	smul.u32 $0x19000, s17;
	s1 =	sor.u32 s0, s1  }
0x7: {  	s16 =	sadd.s32 $0x52C600, s6;
	s8 =	ssub.s32 $0x2, s0;
	s3 =	smul.u32 $0xC80, s1  }
0x8: {  	_ =	strace $0x80000047;
	s9 =	sshrl.u32 s8, $0x1;
	s1 =	smul.u32 $0x64000, s1  }
0x9: {  	s23 =	sadd.s32 s17, s15;
	s25 =	sadd.s32 s17, s16;
	s3 =	sshrl.u32 s3, $0x3  }
0xa: {  	s8 =	ssub.s32 s8, s9;
	s7 =	sadd.s32 s3, s6;
	s3 =	sadd.s32 $0x2E00, s6  }
0xb: {  	s1 =	sshrl.u32 s1, $0x3;
	s6 =	sadd.s32 $0x6BC600, s6;
	s13 =	sadd.s32 $0x189A00, s7  }
0xc: {  	s11 =	sadd.s32 $0xC000, s1;
	s14 =	sadd.s32 $0x196200, s7;
	[dreg:$0x6] =	wrdreg s13  }
0xd: {  	s1 =	sadd.s32 $0xC400, s1;
	s7 =	sadd.s32 $0x18FE00, s7;
	[dreg:$0x7] =	wrdreg s14  }
0xe: {  	s18 =	sadd.s32 s15, s11;
	s10 =	sadd.s32 s16, s11;
	[dreg:$0x8] =	wrdreg s7  }
0xf: {  	s11 =	sadd.s32 s6, s11;
	s13 =	smul.u32 $0x64000, s0;
	[dreg:$0x9] =	wrdreg s18  }
0x10: {  	s14 =	sadd.s32 s6, s1;
	s0 =	smul.u32 $0xC800, s0;
	s18 =	simm.s32 $0x3  }
0x11: {  	s19 =	sadd.s32 s13, s12;
	s12 =	sadd.s32 s15, s1;
	s13 =	sadd.s32 s16, s1  }
0x12: {  	s24 =	sadd.s32 s0, s23;
	s26 =	sadd.s32 s0, s25;
	s23 =	simm.s32 $0x6580  }
0x13: {  	s25 =	simm.s32 $0x8580;
	s7 =	sshrl.u32 s19, $0x3;
	s1 =	sadd.s32 $0x400, s24  }
0x14: {  	s19 =	simm.s32 $0xC80;
	s24 =	simm.s32 $0x40;
	s20 =	sadd.s32 s7, s6  }
0x15: {  	s21 =	sadd.s32 s7, s16;
	s22 =	sadd.s32 s7, s15;
	[dreg:$0x5] =	wrdreg s1  }
0x16: {  	s15 =	smax.u32 s8, $0x1;
	s6 =	sadd.s32 s17, s6;
	[dreg:$0x2] =	wrdreg s20  }
0x17: {  	s16 =	sadd.s32 $0x400, s26;
	s26 =	simm.s32 $0xA580;
	[dreg:$0x3] =	wrdreg s21  }
0x18: {  	[dreg:$0x4] =	wrdreg s22;
	s0 =	sadd.s32 s0, s6;
	s20 =	simm.s32 $0x1900  }
0x19: {  	s21 =	simm.s32 $0x2580;
	s22 =	simm.s32 $0x4580;
	s17 =	sadd.s32 $0x400, s0  }
.LBB2_1:
0x1a: {  	s0 =	rddreg [dreg:$0x6]  }
0x1b: {  	[tilespmem:s2], [sflag:$0x3] =	stream.linear.gather [hbm4b:s0+s2], $0xC80, $0x38;
	[tilespmem:$0xE580] =	vst v63  }
0x1c: {  	_ =	swait.ge [sflag:s18], $0xC80  }
0x1d: {  	[sflag:s18] =	ssyncset.done $0x0  }
0x1e: {  	s6 =	rddreg [dreg:$0x7];
	[sflag:s18] =	ssyncadd.s32 $0xFFFFF380  }
0x1f: {  	[tilespmem:s19], [sflag:$0x3] =	stream.linear.gather [hbm4b:s6+s2], $0xC80, $0x38;
	[tilespmem:$0xE580] =	vst v63  }
0x20: {  	_ =	swait.ge [sflag:s18], $0xC80  }
0x21: {  	[sflag:s18] =	ssyncset.done $0x0  }
0x22: {  	s7 =	rddreg [dreg:$0x8];
	[sflag:s18] =	ssyncadd.s32 $0xFFFFF380  }
0x23: {  	[tilespmem:s20], [sflag:$0x3] =	stream.linear.gather [hbm4b:s7+s2], $0xC80, $0x38;
	[tilespmem:$0xE580] =	vst v63  }
0x24: {  	_ =	swait.ge [sflag:s18], $0xC80  }
0x25: {  	[sflag:s18] =	ssyncset.done $0x0  }
0x26: {  	[sflag:s18] =	ssyncadd.s32 $0xFFFFF380  }
0x27: {  	[tilespmem:s21], [sflag:$0x1] =	stream.indirect.gather [hbm4b:s3+s24], $0x80, s2, s24, $0xb8;
	[tilespmem:$0xE580] =	vst v63  }
0x28: {  	_ = 	snop  }
0x29: {  	[tilespmem:s22], [sflag:$0x1] =	stream.indirect.gather [hbm4b:s4+s24], $0x80, s19, s24, $0xb8;
	[tilespmem:$0xE580] =	vst v63  }
0x2a: {  	_ = 	snop  }
0x2b: {  	[tilespmem:s23], [sflag:$0x1] =	stream.indirect.gather [hbm4b:s5+s24], $0x80, s20, s24, $0xb8;
	[tilespmem:$0xE580] =	vst v63  }
0x2c: {  	_ = 	snop  }
0x2d: {  	[tilespmem:s25], [sflag:$0x2] =	stream.indirect.gather [hbm4b:s3+s24], $0x80, s24, s24, $0xb8;
	[tilespmem:$0xE580] =	vst v63  }
0x2e: {  	s1 =	simm.s32 $0xCC0  }
0x2f: {  	[tilespmem:s26], [sflag:$0x2] =	stream.indirect.gather [hbm4b:s4+s24], $0x80, s1, s24, $0xb8;
	[tilespmem:$0xE580] =	vst v63  }
0x30: {  	s0 =	simm.s32 $0x1940  }
0x31: {  	[tilespmem:s28], [sflag:$0x2] =	stream.indirect.gather [hbm4b:s5+s24], $0x80, s0, s24, $0xb8;
	[tilespmem:$0xE580] =	vst v63  }
0x32: {  	_ =	swait.ge [sflag:s29], $0x2000  }
0x33: {  	[sflag:s29] =	ssyncset.done $0x0  }
0x34: {  	[sflag:s29] =	ssyncadd.s32 $0xFFFFE000  }
0x35: {  	_ =	swait.ge [sflag:s29], $0x2000  }
0x36: {  	[sflag:s29] =	ssyncset.done $0x0  }
0x37: {  	[sflag:s29] =	ssyncadd.s32 $0xFFFFE000  }
0x38: {  	_ =	swait.ge [sflag:s29], $0x2000  }
0x39: {  	s6 =	rddreg [dreg:$0x4];
	[sflag:s29] =	ssyncset.done $0x0  }
0x3a: {  	[sflag:s29] =	ssyncadd.s32 $0xFFFFE000;
	s6 =	sadd.s32 $0x0, s6  }
0x3b: {  	[hbm4b:s6+s2] =	stream.linear.scatter [tilespmem:s21], [sflag:$0x3], $0x2000, $0x38;
	[tilespmem:$0xE580] =	vst v63  }
0x3c: {  	_ =	swait.ge [sflag:s18], $0x2000  }
0x3d: {  	s8 =	rddreg [dreg:$0x3];
	[sflag:s18] =	ssyncset.done $0x0  }
0x3e: {  	[sflag:s18] =	ssyncadd.s32 $0xFFFFE000;
	s6 =	sadd.s32 $0x0, s8  }
0x3f: {  	[hbm4b:s6+s2] =	stream.linear.scatter [tilespmem:s22], [sflag:$0x3], $0x2000, $0x38;
	[tilespmem:$0xE580] =	vst v63  }
0x40: {  	_ =	swait.ge [sflag:s18], $0x2000  }
0x41: {  	s9 =	rddreg [dreg:$0x2];
	[sflag:s18] =	ssyncset.done $0x0  }
0x42: {  	[sflag:s18] =	ssyncadd.s32 $0xFFFFE000;
	s6 =	sadd.s32 $0x0, s9  }
0x43: {  	[hbm4b:s6+s2] =	stream.linear.scatter [tilespmem:s23], [sflag:$0x3], $0x2000, $0x38;
	[tilespmem:$0xE580] =	vst v63  }
0x44: {  	_ =	swait.ge [sflag:s18], $0x2000  }
0x45: {  	[sflag:s18] =	ssyncset.done $0x0  }
0x46: {  	s7 =	simm.s32 $0x80;
	[sflag:s18] =	ssyncadd.s32 $0xFFFFE000  }
0x47: {  	[tilespmem:s21], [sflag:$0x1] =	stream.indirect.gather [hbm4b:s3+s24], $0x80, s7, s24, $0xb8;
	[tilespmem:$0xE580] =	vst v63  }
0x48: {  	s8 =	simm.s32 $0xD00  }
0x49: {  	[tilespmem:s22], [sflag:$0x1] =	stream.indirect.gather [hbm4b:s4+s24], $0x80, s8, s24, $0xb8;
	[tilespmem:$0xE580] =	vst v63  }
0x4a: {  	s9 =	simm.s32 $0x1980  }
0x4b: {  	[tilespmem:s23], [sflag:$0x1] =	stream.indirect.gather [hbm4b:s5+s24], $0x80, s9, s24, $0xb8;
	[tilespmem:$0xE580] =	vst v63  }
0x4c: {  	_ =	swait.ge [sflag:s30], $0x2000  }
0x4d: {  	[sflag:s30] =	ssyncset.done $0x0  }
0x4e: {  	[sflag:s30] =	ssyncadd.s32 $0xFFFFE000  }
0x4f: {  	_ =	swait.ge [sflag:s30], $0x2000  }
0x50: {  	[sflag:s30] =	ssyncset.done $0x0  }
0x51: {  	[sflag:s30] =	ssyncadd.s32 $0xFFFFE000  }
0x52: {  	_ =	swait.ge [sflag:s30], $0x2000  }
0x53: {  	s7 =	rddreg [dreg:$0x5];
	[sflag:s30] =	ssyncset.done $0x0  }
0x54: {  	[sflag:s30] =	ssyncadd.s32 $0xFFFFE000;
	s6 =	sadd.s32 $0x0, s7  }
0x55: {  	[hbm4b:s6+s2] =	stream.linear.scatter [tilespmem:s25], [sflag:$0x3], $0x2000, $0x38;
	[tilespmem:$0xE580] =	vst v63  }
0x56: {  	_ =	swait.ge [sflag:s18], $0x2000  }
0x57: {  	[sflag:s18] =	ssyncset.done $0x0  }
0x58: {  	s8 =	sadd.s32 $0x0, s16;
	[sflag:s18] =	ssyncadd.s32 $0xFFFFE000  }
0x59: {  	[hbm4b:s8+s2] =	stream.linear.scatter [tilespmem:s26], [sflag:$0x3], $0x2000, $0x38;
	[tilespmem:$0xE580] =	vst v63  }
0x5a: {  	_ =	swait.ge [sflag:s18], $0x2000  }
0x5b: {  	[sflag:s18] =	ssyncset.done $0x0  }
0x5c: {  	s9 =	sadd.s32 $0x0, s17;
	[sflag:s18] =	ssyncadd.s32 $0xFFFFE000  }
0x5d: {  	[hbm4b:s9+s2] =	stream.linear.scatter [tilespmem:s28], [sflag:$0x3], $0x2000, $0x38;
	[tilespmem:$0xE580] =	vst v63  }
0x5e: {  	_ =	swait.ge [sflag:s18], $0x2000  }
0x5f: {  	s7 =	simm.s32 $0xC0;
	s6 =	simm.s32 $0x800;
	[sflag:s18] =	ssyncset.done $0x0  }
.LBB2_2:
0x60: {  	[sflag:s18] =	ssyncadd.s32 $0xFFFFE000  }
0x61: {  	[tilespmem:s25], [sflag:$0x2] =	stream.indirect.gather [hbm4b:s3+s24], $0x80, s7, s24, $0xb8;
	[tilespmem:$0xE580] =	vst v63  }
0x62: {  	s1 =	sadd.s32 $0x80, s1  }
0x63: {  	[tilespmem:s26], [sflag:$0x2] =	stream.indirect.gather [hbm4b:s4+s24], $0x80, s1, s24, $0xb8;
	[tilespmem:$0xE580] =	vst v63  }
0x64: {  	s0 =	sadd.s32 $0x80, s0  }
0x65: {  	[tilespmem:s28], [sflag:$0x2] =	stream.indirect.gather [hbm4b:s5+s24], $0x80, s0, s24, $0xb8;
	[tilespmem:$0xE580] =	vst v63  }
0x66: {  	_ =	swait.ge [sflag:s29], $0x2000  }
0x67: {  	[sflag:s29] =	ssyncset.done $0x0  }
0x68: {  	[sflag:s29] =	ssyncadd.s32 $0xFFFFE000  }
0x69: {  	_ =	swait.ge [sflag:s29], $0x2000  }
0x6a: {  	[sflag:s29] =	ssyncset.done $0x0  }
0x6b: {  	[sflag:s29] =	ssyncadd.s32 $0xFFFFE000  }
0x6c: {  	_ =	swait.ge [sflag:s29], $0x2000  }
0x6d: {  	s8 =	smov.u32 s6;
	s9 =	rddreg [dreg:$0x4];
	[sflag:s29] =	ssyncset.done $0x0  }
0x6e: {  	[sflag:s29] =	ssyncadd.s32 $0xFFFFE000;
	s9 =	sadd.s32 s8, s9  }
0x6f: {  	[hbm4b:s9+s2] =	stream.linear.scatter [tilespmem:s21], [sflag:$0x3], $0x2000, $0x38;
	[tilespmem:$0xE580] =	vst v63  }
0x70: {  	_ =	swait.ge [sflag:s18], $0x2000  }
0x71: {  	s9 =	rddreg [dreg:$0x3];
	[sflag:s18] =	ssyncset.done $0x0  }
0x72: {  	[sflag:s18] =	ssyncadd.s32 $0xFFFFE000;
	s9 =	sadd.s32 s8, s9  }
0x73: {  	[hbm4b:s9+s2] =	stream.linear.scatter [tilespmem:s22], [sflag:$0x3], $0x2000, $0x38;
	[tilespmem:$0xE580] =	vst v63  }
0x74: {  	_ =	swait.ge [sflag:s18], $0x2000  }
0x75: {  	s9 =	rddreg [dreg:$0x2];
	[sflag:s18] =	ssyncset.done $0x0  }
0x76: {  	[sflag:s18] =	ssyncadd.s32 $0xFFFFE000;
	s9 =	sadd.s32 s8, s9  }
0x77: {  	[hbm4b:s9+s2] =	stream.linear.scatter [tilespmem:s23], [sflag:$0x3], $0x2000, $0x38;
	[tilespmem:$0xE580] =	vst v63  }
0x78: {  	_ =	swait.ge [sflag:s18], $0x2000  }
0x79: {  	[sflag:s18] =	ssyncset.done $0x0  }
0x7a: {  	s9 =	sadd.s32 $0x40, s7;
	[sflag:s18] =	ssyncadd.s32 $0xFFFFE000  }
0x7b: {  	[tilespmem:s21], [sflag:$0x1] =	stream.indirect.gather [hbm4b:s3+s24], $0x80, s9, s24, $0xb8;
	[tilespmem:$0xE580] =	vst v63  }
0x7c: {  	s9 =	sadd.s32 $0x40, s1  }
0x7d: {  	[tilespmem:s22], [sflag:$0x1] =	stream.indirect.gather [hbm4b:s4+s24], $0x80, s9, s24, $0xb8;
	[tilespmem:$0xE580] =	vst v63  }
0x7e: {  	s9 =	sadd.s32 $0x40, s0  }
0x7f: {  	[tilespmem:s23], [sflag:$0x1] =	stream.indirect.gather [hbm4b:s5+s24], $0x80, s9, s24, $0xb8;
	[tilespmem:$0xE580] =	vst v63  }
0x80: {  	_ =	swait.ge [sflag:s30], $0x2000  }
0x81: {  	[sflag:s30] =	ssyncset.done $0x0  }
0x82: {  	[sflag:s30] =	ssyncadd.s32 $0xFFFFE000  }
0x83: {  	_ =	swait.ge [sflag:s30], $0x2000  }
0x84: {  	[sflag:s30] =	ssyncset.done $0x0  }
0x85: {  	[sflag:s30] =	ssyncadd.s32 $0xFFFFE000  }
0x86: {  	_ =	swait.ge [sflag:s30], $0x2000  }
0x87: {  	s9 =	rddreg [dreg:$0x5];
	[sflag:s30] =	ssyncset.done $0x0  }
0x88: {  	[sflag:s30] =	ssyncadd.s32 $0xFFFFE000;
	s9 =	sadd.s32 s8, s9  }
0x89: {  	[hbm4b:s9+s2] =	stream.linear.scatter [tilespmem:s25], [sflag:$0x3], $0x2000, $0x38;
	[tilespmem:$0xE580] =	vst v63  }
0x8a: {  	_ =	swait.ge [sflag:s18], $0x2000  }
0x8b: {  	[sflag:s18] =	ssyncset.done $0x0  }
0x8c: {  	s9 =	sadd.s32 s8, s16;
	[sflag:s18] =	ssyncadd.s32 $0xFFFFE000  }
0x8d: {  	[hbm4b:s9+s2] =	stream.linear.scatter [tilespmem:s26], [sflag:$0x3], $0x2000, $0x38;
	[tilespmem:$0xE580] =	vst v63  }
0x8e: {  	p0 =	sne.s32 s6, $0xB800;
	_ =	swait.ge [sflag:s18], $0x2000  }
.Ltmp0:
0x8f: {  	[sflag:s18] =	ssyncset.done $0x0;
	(pc) =	sbr.rel @p0 .LBB2_2-.Ltmp0, $4  }
0x90: {  	s8 =	sadd.s32 s8, s17;
	[sflag:s18] =	ssyncadd.s32 $0xFFFFE000  }
0x91: {  	[hbm4b:s8+s2] =	stream.linear.scatter [tilespmem:s28], [sflag:$0x3], $0x2000, $0x38;
	[tilespmem:$0xE580] =	vst v63  }
0x92: {  	_ =	swait.ge [sflag:s18], $0x2000  }
0x93: {  	s6 =	sadd.s32 $0x800, s6;
	s7 =	sadd.s32 $0x80, s7;
	[sflag:s18] =	ssyncset.done $0x0  }
0x94: {  	[sflag:s18] =	ssyncadd.s32 $0xFFFFE000;
	s0 =	simm.s32 $0xC40  }
0x95: {  	[tilespmem:s25], [sflag:$0x2] =	stream.indirect.gather [hbm4b:s3+s24], $0x80, s0, s24, $0xb8;
	[tilespmem:$0xE580] =	vst v63  }
0x96: {  	s7 =	simm.s32 $0x18C0  }
0x97: {  	[tilespmem:s26], [sflag:$0x2] =	stream.indirect.gather [hbm4b:s4+s24], $0x80, s7, s24, $0xb8;
	[tilespmem:$0xE580] =	vst v63  }
0x98: {  	s8 =	simm.s32 $0x2540  }
0x99: {  	[tilespmem:s28], [sflag:$0x2] =	stream.indirect.gather [hbm4b:s5+s24], $0x80, s8, s24, $0xb8;
	[tilespmem:$0xE580] =	vst v63  }
0x9a: {  	_ =	swait.ge [sflag:s29], $0x2000  }
0x9b: {  	[sflag:s29] =	ssyncset.done $0x0  }
0x9c: {  	[sflag:s29] =	ssyncadd.s32 $0xFFFFE000  }
0x9d: {  	_ =	swait.ge [sflag:s29], $0x2000  }
0x9e: {  	[sflag:s29] =	ssyncset.done $0x0  }
0x9f: {  	[sflag:s29] =	ssyncadd.s32 $0xFFFFE000  }
0xa0: {  	_ =	swait.ge [sflag:s29], $0x2000  }
0xa1: {  	[sflag:s29] =	ssyncset.done $0x0  }
0xa2: {  	s9 =	rddreg [dreg:$0x9];
	[sflag:s29] =	ssyncadd.s32 $0xFFFFE000  }
0xa3: {  	[hbm4b:s9+s2] =	stream.linear.scatter [tilespmem:s21], [sflag:$0x3], $0x2000, $0x38;
	[tilespmem:$0xE580] =	vst v63  }
0xa4: {  	_ =	swait.ge [sflag:s18], $0x2000  }
0xa5: {  	[sflag:s18] =	ssyncset.done $0x0  }
0xa6: {  	[sflag:s18] =	ssyncadd.s32 $0xFFFFE000  }
0xa7: {  	[hbm4b:s10+s2] =	stream.linear.scatter [tilespmem:s22], [sflag:$0x3], $0x2000, $0x38;
	[tilespmem:$0xE580] =	vst v63  }
0xa8: {  	_ =	swait.ge [sflag:s18], $0x2000  }
0xa9: {  	[sflag:s18] =	ssyncset.done $0x0  }
0xaa: {  	[sflag:s18] =	ssyncadd.s32 $0xFFFFE000  }
0xab: {  	[hbm4b:s11+s2] =	stream.linear.scatter [tilespmem:s23], [sflag:$0x3], $0x2000, $0x38;
	[tilespmem:$0xE580] =	vst v63  }
0xac: {  	_ =	swait.ge [sflag:s18], $0x2000  }
0xad: {  	[sflag:s18] =	ssyncset.done $0x0  }
0xae: {  	[sflag:s18] =	ssyncadd.s32 $0xFFFFE000  }
0xaf: {  	_ =	swait.ge [sflag:s30], $0x2000  }
0xb0: {  	[sflag:s30] =	ssyncset.done $0x0  }
0xb1: {  	[sflag:s30] =	ssyncadd.s32 $0xFFFFE000  }
0xb2: {  	_ =	swait.ge [sflag:s30], $0x2000  }
0xb3: {  	[sflag:s30] =	ssyncset.done $0x0  }
0xb4: {  	[sflag:s30] =	ssyncadd.s32 $0xFFFFE000  }
0xb5: {  	_ =	swait.ge [sflag:s30], $0x2000  }
0xb6: {  	[sflag:s30] =	ssyncset.done $0x0  }
0xb7: {  	[sflag:s30] =	ssyncadd.s32 $0xFFFFE000  }
0xb8: {  	[hbm4b:s12+s2] =	stream.linear.scatter [tilespmem:s25], [sflag:$0x3], $0x2000, $0x38;
	[tilespmem:$0xE580] =	vst v63  }
0xb9: {  	_ =	swait.ge [sflag:s18], $0x2000  }
0xba: {  	[sflag:s18] =	ssyncset.done $0x0  }
0xbb: {  	[sflag:s18] =	ssyncadd.s32 $0xFFFFE000  }
0xbc: {  	[hbm4b:s13+s2] =	stream.linear.scatter [tilespmem:s26], [sflag:$0x3], $0x2000, $0x38;
	[tilespmem:$0xE580] =	vst v63  }
0xbd: {  	s31 =	sadd.s32 $0x1, s31;
	_ =	swait.ge [sflag:s18], $0x2000  }
0xbe: {  	p0 =	sne.s32 s31, s15;
	[sflag:s18] =	ssyncset.done $0x0  }
.Ltmp1:
0xbf: {  	[sflag:s18] =	ssyncadd.s32 $0xFFFFE000;
	(pc) =	sbr.rel @p0 .LBB2_1-.Ltmp1, $4  }
0xc0: {  	[hbm4b:s14+s2] =	stream.linear.scatter [tilespmem:s28], [sflag:$0x3], $0x2000, $0x38;
	[tilespmem:$0xE580] =	vst v63  }
0xc1: {  	_ =	swait.ge [sflag:s18], $0x2000  }
0xc2: {  	[sflag:s18] =	ssyncset.done $0x0  }
0xc3: {  	[sflag:s18] =	ssyncadd.s32 $0xFFFFE000  }
0xc4: {  	_ =	sfence.sel $0x180000  }
0xc5: {  	[bflag:$0x0] =	sbarrier.arrive $0xFFFF  }
0xc6: {  	_ =	strace $0x90000047  }
0xc7: {  	s0 =	stileid.u32;
	[bflag:$0x2] =	sbarrier.arrive $0xFFFF  }
0xc8: {  	p0 =	sne.s32 s0, $0x0;
	s0 =	rddreg [dreg:$0x1]  }
0xc9: {  	s0 =	sadd.s32 @!p0 $0x100000, s0  }
0xca: {  	[sflag:s0] =	ssyncadd.tile.s32 @!p0 $0x1;
	_ =	shalt  }
.Lfunc_end2:
_tile_overlayer_lowered:
.L_overlay_start_2:
0xcb: {  	(tag) =	ssettag $0x2  }
0xcc: {  	s0 =	rddreg [dreg:$0x0];
	s2 =	stileid.u32  }
0xcd: {  	s1 =	rddreg [dreg:$0x1];
	p0 =	sne.s32 s2, $0x0  }
0xce: {  	s3 =	rddreg [dreg:$0x2];
	[bflag:$0x3] =	sbarrier.arrive $0xFFFF;
	s2 =	simm.s32 @!p0 $0x1C03  }
0xcf: {  	[timem:s3], [sflag:s2] =	dma.local @!p0 [hbm:s0], s1  }
0xd0: {  	s0 =	simm.s32 @!p0 $0x3  }
0xd1: {  	_ =	swait.ge @!p0 [sflag:s0], s1  }
0xd2: {  	s1 =	ssub.s32 @!p0 $0x0, s1;
	[sflag:s0] =	ssyncset.done @!p0 $0x0  }
0xd3: {  	[sflag:s0] =	ssyncadd.s32 @!p0 s1  }
0xd4: {  	[bflag:$0x3] =	sbarrier.arrive $0xFFFF  }
0xd5: {  	_ =	shalt  }

// kernel: kernel.9.cloned.1.call-start
scs
__scs_entry_jumppad:
0x0: {  	(pc) =	sbr.rel $0x88, $3  }
0x1: {  	(tag) =	ssettag $0x0;
	lr =	simm.s32 $0x1  }
0x2: {  	[smem:$0x3F95] =	sst lr;
	_ =	strace $0xD0000000  }
0x3: {  	_ = 	snop  }
0x4: {  	_ = 	snop  }
0x5: {  	_ = 	snop  }
0x6: {  	_ = 	snop  }
0x7: {  	_ = 	snop  }
__scs_overlays_trampoline_lowered:
0x8: {  	[smem:$0x3FA4] =	sst s0  }
0x9: {  	[smem:$0x3FA5] =	sst s1  }
0xa: {  	[smem:$0x3FA6] =	sst s2  }
0xb: {  	[smem:$0x3FA7] =	sst s3  }
0xc: {  	[smem:$0x3FA8] =	sst s4  }
0xd: {  	[smem:$0x3FA9] =	sst s5  }
0xe: {  	[smem:$0x3FAA] =	sst s6  }
0xf: {  	[smem:$0x3FAB] =	sst s7  }
0x10: {  	[smem:$0x3FAC] =	sst s8  }
0x11: {  	[smem:$0x3FAD] =	sst s9;
	s0 =	simm.s32 @!p0 $0x0  }
0x12: {  	s1 =	sld [smem:$0x3F93];
	s0 =	simm.s32 @p0 $0x1  }
0x13: {  	[smem:$0x3FAE] =	sst s0;
	s0 =	simm.s32 @!p1 $0x0  }
0x14: {  	s2 =	sld [smem:$0x3F92];
	s0 =	simm.s32 @p1 $0x1  }
0x15: {  	[smem:$0x3FAF] =	sst s0;
	s0 =	simm.s32 @!p2 $0x0  }
0x16: {  	s3 =	sld [smem:$0x3FDB];
	s0 =	simm.s32 @p2 $0x1  }
0x17: {  	s4 =	simm.s32 $0x1BF5;
	[smem:$0x3FB1] =	sst s0  }
0x18: {  	s0 =	sld [smem:$0x3F94];
	_ =	swait.ge [sflag:s4], $0x0  }
0x19: {  	s7 =	sld [smem:$0x3F95]  }
0x1a: {  	s8 =	sadd.s32 $0xFFFFE003, lr  }
0x1b: {  	s9 =	sadd.s32 $0xFFFFFEF7, lr;
	s5 =	simm.s32 $0xFFFFFFFF;
	p2 =	slt.u32 s8, $0xFFFFF086  }
0x1c: {  	p1 =	slt.u32 s9, $0xF7A;
	s5 =	simm.s32 @!p2 $0x0  }
0x1d: {  	s5 =	simm.s32 @p1 $0x1;
	p0 =	seq.s32 s7, s2  }
0x1e: {  	s7 =	smul.u32 @!p0 $0xF7A, s2;
	p2 =	seq.s32 @!p0 s5, $0x0  }
0x1f: {  	s9 =	smul.u32 $0xF7A, s1;
	s8 =	simm.s32 @!p0 $0x1BF5;
	p2 =	por !p2, p0  }
0x20: {  	[sflag:s8] =	ssyncset.s32 @!p0 $0xFFFFF086;
	s6 =	sadd.s32 @!p0 s3, s7;
	s7 =	simm.s32 @!p0 $0x108  }
0x21: {  	s3 =	sadd.s32 s3, s9;
	s6 =	sadd.s32 @!p0 $0x88, s6;
	s7 =	simm.s32 @p2 $0x1082  }
0x22: {  	[simem:s7], [sflag:s8] =	dma.local @!p0 [hbm:s6], $0xF7A  }
0x23: {  	s9 =	sor.u32 $0xD0000000, s2;
	s6 =	simm.s32 $0x108;
	_ =	swait.ge @!p0 [sflag:s8], $0x0  }
0x24: {  	s3 =	sadd.s32 $0x88, s3;
	s6 =	simm.s32 @!p1 $0x1082;
	[sflag:s4] =	ssyncset.s32 $0xFFFFF086  }
0x25: {  	[simem:s6], [sflag:s4] =	dma.local [hbm:s3], $0xF7A  }
0x26: {  	[smem:$0x3F95] =	sst s1;
	(tag) =	ssettag s2;
	_ =	strace s9  }
0x27: {  	s1 =	sld [smem:$0x3FA5]  }
0x28: {  	s2 =	sld [smem:$0x3FA6]  }
0x29: {  	s4 =	sld [smem:$0x3FA8]  }
0x2a: {  	p0 =	seq.s32 s5, $0x0;
	s5 =	sld [smem:$0x3FA9]  }
0x2b: {  	s6 =	sld [smem:$0x3FAA]  }
0x2c: {  	s7 =	sld [smem:$0x3FAB]  }
0x2d: {  	s3 =	simm.s32 $0x108;
	s8 =	sld [smem:$0x3FAC]  }
0x2e: {  	s3 =	simm.s32 @!p0 $0x1082;
	s9 =	sld [smem:$0x3FAD]  }
0x2f: {  	lr =	sadd.s32 s0, s3;
	s0 =	sld [smem:$0x3FA4]  }
0x30: {  	s3 =	sld [smem:$0x3FA7]  }
0x31: {  	[smem:$0x3FB0] =	sst s10  }
0x32: {  	s10 =	sld [smem:$0x3FAE];
	_ =	sdelay $0x3  }
0x33: {  	p0 =	seq.s32 s10, $0x1;
	s10 =	sld [smem:$0x3FB0];
	_ =	sdelay $0x3  }
0x34: {  	[smem:$0x3FB0] =	sst s10  }
0x35: {  	s10 =	sld [smem:$0x3FAF];
	_ =	sdelay $0x3  }
0x36: {  	p1 =	seq.s32 s10, $0x1;
	s10 =	sld [smem:$0x3FB0];
	_ =	sdelay $0x3  }
0x37: {  	[smem:$0x3FB0] =	sst s10  }
0x38: {  	s10 =	sld [smem:$0x3FB1]  }
0x39: {  	_ = 	snop;
	(pc) =	sbr.ind lr, $3  }
0x3a: {  	_ = 	snop  }
0x3b: {  	_ = 	snop  }
0x3c: {  	p2 =	seq.s32 s10, $0x1;
	s10 =	sld [smem:$0x3FB0]  }
0x3d: {  	_ =	shalt  }
0x3e: {  	_ =	shalt  }
0x3f: {  	_ =	shalt  }
0x40: {  	_ =	shalt  }
0x41: {  	_ =	shalt  }
0x42: {  	_ =	shalt  }
0x43: {  	_ =	shalt  }
0x44: {  	_ =	shalt  }
0x45: {  	_ =	shalt  }
0x46: {  	_ =	shalt  }
0x47: {  	_ =	shalt  }
0x48: {  	_ =	shalt  }
0x49: {  	_ =	shalt  }
0x4a: {  	_ =	shalt  }
0x4b: {  	_ =	shalt  }
0x4c: {  	_ =	shalt  }
0x4d: {  	_ =	shalt  }
0x4e: {  	_ =	shalt  }
0x4f: {  	_ =	shalt  }
0x50: {  	_ =	shalt  }
0x51: {  	_ =	shalt  }
0x52: {  	_ =	shalt  }
0x53: {  	_ =	shalt  }
0x54: {  	_ =	shalt  }
0x55: {  	_ =	shalt  }
0x56: {  	_ =	shalt  }
0x57: {  	_ =	shalt  }
0x58: {  	_ =	shalt  }
0x59: {  	_ =	shalt  }
0x5a: {  	_ =	shalt  }
0x5b: {  	_ =	shalt  }
0x5c: {  	_ =	shalt  }
0x5d: {  	_ =	shalt  }
0x5e: {  	_ =	shalt  }
0x5f: {  	_ =	shalt  }
0x60: {  	_ =	shalt  }
0x61: {  	_ =	shalt  }
0x62: {  	_ =	shalt  }
0x63: {  	_ =	shalt  }
0x64: {  	_ =	shalt  }
0x65: {  	_ =	shalt  }
0x66: {  	_ =	shalt  }
0x67: {  	_ =	shalt  }
0x68: {  	_ =	shalt  }
0x69: {  	_ =	shalt  }
0x6a: {  	_ =	shalt  }
0x6b: {  	_ =	shalt  }
0x6c: {  	_ =	shalt  }
0x6d: {  	_ =	shalt  }
0x6e: {  	_ =	shalt  }
0x6f: {  	_ =	shalt  }
0x70: {  	_ =	shalt  }
0x71: {  	_ =	shalt  }
0x72: {  	_ =	shalt  }
0x73: {  	_ =	shalt  }
0x74: {  	_ =	shalt  }
0x75: {  	_ =	shalt  }
0x76: {  	_ =	shalt  }
0x77: {  	_ =	shalt  }
0x78: {  	_ =	shalt  }
0x79: {  	_ =	shalt  }
0x7a: {  	_ =	shalt  }
0x7b: {  	_ =	shalt  }
0x7c: {  	_ =	shalt  }
0x7d: {  	_ =	shalt  }
0x7e: {  	_ =	shalt  }
0x7f: {  	_ =	shalt  }
0x80: {  	_ =	shalt  }
0x81: {  	_ =	shalt  }
0x82: {  	_ =	shalt  }
0x83: {  	_ =	shalt  }
0x84: {  	_ =	shalt  }
0x85: {  	_ =	shalt  }
0x86: {  	_ =	shalt  }
0x87: {  	_ =	shalt  }
.Lfunc_end0:
.L_simem_size_0:
called_computation.2_lowered:
.L_overlay_start_0:
0x88: {  	s2 =	sld [smem:$0x3FD9]  }
0x89: {  	s3 =	sld [smem:$0x3FFE];
	_ =	sdelay $0x1  }
0x8a: {  	s1 =	srdreg.scid  }
0x8b: {  	s0 =	sand.u32 $0x1, s1  }
0x8c: {  	s15 =	sshll.u32 s0, $0xA;
	s2 =	sadd.s32 s3, s2  }
0x8d: {  	s2 =	sadd.s32 s2, s15  }
0x8e: {  	[smem:$0x3FBC] =	sst s2  }
0x8f: {  	_ = 	snop  }
0x90: {  	s2 =	sld [smem:$0x3FD0];
	_ =	sdelay $0x2  }
0x91: {  	s16 =	simm.s32 $0xB;
	s4 =	simm.s32 $0x10  }
0x92: {  	[smem:s4], [sflag:s16] =	dma.local [hbm:s2], $0x1  }
0x93: {  	_ =	swait.eq [sflag:s16], $0x1  }
0x94: {  	[sflag:s16] =	ssyncset.done $0x0  }
0x95: {  	[sflag:s16] =	ssyncadd.s32 $0xFFFFFFFF  }
0x96: {  	s17 =	sld [smem:$0x10];
	(tm) =	ssettm $0x1  }
0x97: {  	s18 =	sld [smem:$0x3FFB];
	_ =	sdelay $0x3  }
0x98: {  	_ =	strace s18  }
0x99: {  	s2 =	sld [smem:$0x3FFC];
	_ =	sdelay $0x3  }
0x9a: {  	_ =	strace s2  }
0x9b: {  	s2 =	sld [smem:$0x3FFD];
	_ =	sdelay $0x3  }
0x9c: {  	_ =	strace s2  }
0x9d: {  	_ =	strace $0x8FFFFFFF  }
0x9e: {  	s19 =	sld [smem:$0x3FDB];
	_ =	sdelay $0x1  }
0x9f: {  	s20 =	simm.s32 $_scs_section_size  }
0xa0: {  	s5 =	simm.s32 $_size__tile_overlayer_lowered;
	s6 =	simm.s32 $_tile_overlayer_lowered  }
0xa1: {  	s7 =	simm.s32 $0x1BFF;
	s21 =	sshll.u32 s6, $0x1;
	s4 =	sadd.s32 s20, s19  }
0xa2: {  	s22 =	simm.s32 $0x0;
	s5 =	sshll.u32 s5, $0x1;
	s6 =	sadd.s32 s21, s4  }
0xa3: {  	[timem:s22], [sflag:s7] =	dma.local [hbm:s6], s5  }
0xa4: {  	_ =	swait.ge [sflag:s7], s5  }
0xa5: {  	s5 =	ssub.s32 $0x0, s5;
	[sflag:s7] =	ssyncset.done $0x0  }
0xa6: {  	[sflag:s7] =	ssyncadd.s32 s5;
	_ =	sdelay $0x1  }
0xa7: {  	s23 =	simm.s32 $0x1B8B  }
0xa8: {  	_ =	swait.ge [sflag:s23], $0x1  }
0xa9: {  	[sflag:s23] =	ssyncset.done $0x0  }
0xaa: {  	[sflag:s23] =	ssyncadd.s32 $0xFFFFFFFF  }
0xab: {  	s5 =	sld [smem:$0x0]  }
0xac: {  	s6 =	sand.u32 $0xFFFFFFFE, s1  }
0xad: {  	p0 =	sne.s32 s1, s6  }
0xae: {  	s6 =	sshll.u32 @p0 s6, $0xE  }
0xaf: {  	s6 =	sadd.s32 @p0 $0x11B8D, s6;
	s7 =	sshll.u32 @p0 s5, $0x11  }
0xb0: {  	s6 =	sor.u32 @p0 s7, s6  }
0xb1: {  	[sflag:s6] =	ssyncadd.remote.s32 @p0 $0x1;
	_ =	sdelay $0x1  }
0xb2: {  	s6 =	simm.s32 @p0 $0x1B8D  }
0xb3: {  	_ =	swait.eq @p0 [sflag:s6], $0x1  }
0xb4: {  	[sflag:s6] =	ssyncadd.s32 @p0 $0xFFFFFFFF  }
0xb5: {  	s7 =	sshll.u32 @!p0 s1, $0xE  }
0xb6: {  	s7 =	sor.u32 @!p0 $0x4000, s7;
	s6 =	simm.s32 @!p0 $0x1B8D  }
0xb7: {  	s5 =	sshll.u32 @!p0 s5, $0x11;
	s7 =	sadd.s32 @!p0 $0x11B8D, s7;
	_ =	swait.eq @!p0 [sflag:s6], $0x1  }
0xb8: {  	s5 =	sor.u32 @!p0 s5, s7;
	[sflag:s6] =	ssyncadd.s32 @!p0 $0xFFFFFFFF  }
0xb9: {  	s25 =	simm.s32 $0x1B8E;
	s24 =	sld [smem:$0x3FFE];
	[sflag:s5] =	ssyncadd.remote.s32 @!p0 $0x1  }
0xba: {  	s26 =	simm.s32 $execute0_lowered;
	[smem:$0x3FD2] =	sst s25  }
0xbb: {  	s6 =	sshll.u32 s26, $0x1;
	_ =	strace $0x80000049;
	[dreg:$0x1] =	wrdreg $0xFFFFFFFF  }
0xbc: {  	s28 =	simm.s32 $_size_execute0_lowered;
	s4 =	sadd.s32 s4, s6;
	[dreg:$0x0] =	wrdreg $0x0  }
0xbd: {  	s6 =	sshll.u32 s28, $0x1;
	[dreg:$0x2] =	wrdreg s4  }
0xbe: {  	[dreg:$0x3] =	wrdreg s6  }
0xbf: {  	[dreg:$0x4] =	wrdreg $0xC0  }
0xc0: {  	_ =	task [dreg:s22], $0x5FFFF  }
0xc1: {  	[dreg:$0x1] =	wrdreg $0xFFFFFFFF  }
0xc2: {  	[dreg:$0x0] =	wrdreg $0x60  }
0xc3: {  	[dreg:$0x2] =	wrdreg s24  }
0xc4: {  	[dreg:$0x3] =	wrdreg s17  }
0xc5: {  	[dreg:$0x4] =	wrdreg $0xA  }
0xc6: {  	_ =	task.clear_ibuf [dreg:s22], $0x5FFFF;
	_ =	strace $0x90000049  }
0xc7: {  	s29 =	simm.s32 $0xA;
	_ =	strace $0x8000004B  }
0xc8: {  	_ =	swait.ge [sflag:s29], $0x1  }
0xc9: {  	[sflag:s29] =	ssyncadd.s32 $0xFFFFFFFF  }
0xca: {  	_ =	strace $0x9000004B  }
0xcb: {  	_ =	sfence  }
0xcc: {  	s30 =	sld [smem:$0x0];
	_ =	sdelay $0x2  }
0xcd: {  	s31 =	sshll.u32 s1, $0xD;
	s1 =	sshrl.u32 s1, $0x2  }
0xce: {  	s4 =	sand.u32 $0x4000, s31;
	s1 =	sadd.s32 s1, s30  }
0xcf: {  	s0 =	sor.u32 s4, s0;
	s1 =	sshll.u32 s1, $0x11  }
0xd0: {  	s0 =	sor.u32 s1, s0  }
0xd1: {  	s0 =	sadd.s32 $0x8F2B, s0  }
0xd2: {  	[sflag:s0] =	ssyncadd.remote.s32 $0x1  }
0xd3: {  	_ =	sfence.sel $0xFFFF  }
0xd4: {  	[dreg:$0x0] =	wrdreg $0xFFFFFFFF;
	(pc) =	sbr.abs _section_cstart, $3  }
0xd5: {  	[dreg:$0x1] =	wrdreg $0xFFFFFFFF  }
0xd6: {  	_ =	task.clear_ibuf [dreg:s22], $0x2FFFF;
	_ =	strace $0x9FFFFFFF  }
0xd7: {  	(tm) =	ssettm $0x7FFFFFFF  }
tec
execute0_lowered:
.L_overlay_start_1:
0x0: {  	(tag) =	ssettag $0x1  }
0x1: {  	s0 =	rddreg [dreg:$0x0]  }
0x2: {  	s1 =	rddreg [dreg:$0x1]  }
0x3: {  	s2 =	simm.s32 $0x0;
	s3 =	srdreg.scid;
	s18 =	stileid.u32  }
0x4: {  	s28 =	simm.s32 $0xC580;
	s29 =	simm.s32 $0x1;
	s30 =	simm.s32 $0x2  }
0x5: {  	s31 =	simm.s32 $0x0;
	[smem:$0x7FF] =	sst s2;
	s6 =	sand.u32 $0x1, s3  }
0x6: {  	s22 =	sshll.u32 s18, $0x1;
	s4 =	sadd.s32 $0x19C600, s0;
	s23 =	smul.u32 $0xC8000, s18  }
0x7: {  	s3 =	sadd.s32 $0x2E00, s0;
	s5 =	sadd.s32 $0x29C600, s0;
	s19 =	smul.u32 $0x19000, s18  }
0x8: {  	s16 =	sadd.s32 $0x84C600, s0;
	s7 =	sor.u32 s6, s22;
	s12 =	smul.u32 $0x64000, s6  }
0x9: {  	s17 =	sadd.s32 $0x9DC600, s0;
	s18 =	simm.s32 $0x3;
	s8 =	smul.u32 $0xC80, s7  }
0xa: {  	_ =	strace $0x8000004A;
	s9 =	ssub.s32 $0x2, s6;
	s7 =	smul.u32 $0x64000, s7  }
0xb: {  	s6 =	smul.u32 $0xC800, s6;
	s10 =	sshrl.u32 s9, $0x1;
	s8 =	sshrl.u32 s8, $0x3  }
0xc: {  	s15 =	ssub.s32 s9, s10;
	s7 =	sshrl.u32 s7, $0x3;
	s0 =	sadd.s32 s0, s8  }
0xd: {  	s15 =	smax.u32 s15, $0x1;
	s11 =	sadd.s32 $0xC000, s7;
	s8 =	sadd.s32 $0x18CC00, s0  }
0xe: {  	s26 =	sadd.s32 $0xC400, s7;
	s24 =	sadd.s32 $0x199400, s0;
	[dreg:$0x7] =	wrdreg s8  }
0xf: {  	s0 =	sadd.s32 $0x193000, s0;
	s25 =	sadd.s32 s1, s11;
	[dreg:$0x8] =	wrdreg s24  }
0x10: {  	s10 =	sadd.s32 s16, s11;
	s11 =	sadd.s32 s17, s11;
	[dreg:$0x9] =	wrdreg s0  }
0x11: {  	s13 =	sadd.s32 s16, s26;
	s14 =	sadd.s32 s17, s26;
	[dreg:$0xa] =	wrdreg s25  }
0x12: {  	s8 =	sadd.s32 s12, s23;
	s12 =	sadd.s32 s1, s26;
	s23 =	sadd.s32 s19, s16  }
0x13: {  	s24 =	sadd.s32 s19, s17;
	s7 =	sshrl.u32 s8, $0x3;
	s25 =	sadd.s32 s6, s23  }
0x14: {  	s26 =	sadd.s32 s6, s24;
	s23 =	simm.s32 $0x6580;
	s24 =	simm.s32 $0x40  }
0x15: {  	s9 =	sadd.s32 s7, s17;
	s20 =	sadd.s32 s7, s16;
	s21 =	sadd.s32 s7, s1  }
0x16: {  	s1 =	sadd.s32 s19, s1;
	s16 =	sadd.s32 $0x400, s25;
	s17 =	sadd.s32 $0x400, s26  }
0x17: {  	s19 =	simm.s32 $0xC80;
	s25 =	simm.s32 $0x8580;
	[dreg:$0x3] =	wrdreg s9  }
0x18: {  	s26 =	simm.s32 $0xA580;
	[dreg:$0x4] =	wrdreg s20;
	s22 =	sadd.s32 s6, s1  }
0x19: {  	[dreg:$0x5] =	wrdreg s21;
	s20 =	simm.s32 $0x1900;
	s0 =	sadd.s32 $0x400, s22  }
0x1a: {  	s21 =	simm.s32 $0x2580;
	s22 =	simm.s32 $0x4580;
	[dreg:$0x6] =	wrdreg s0  }
.LBB2_1:
0x1b: {  	s0 =	rddreg [dreg:$0x7]  }
0x1c: {  	[tilespmem:s2], [sflag:$0x3] =	stream.linear.gather [hbm4b:s0+s2], $0xC80, $0x38;
	[tilespmem:$0xE580] =	vst v63  }
0x1d: {  	_ =	swait.ge [sflag:s18], $0xC80  }
0x1e: {  	[sflag:s18] =	ssyncset.done $0x0  }
0x1f: {  	s6 =	rddreg [dreg:$0x8];
	[sflag:s18] =	ssyncadd.s32 $0xFFFFF380  }
0x20: {  	[tilespmem:s19], [sflag:$0x3] =	stream.linear.gather [hbm4b:s6+s2], $0xC80, $0x38;
	[tilespmem:$0xE580] =	vst v63  }
0x21: {  	_ =	swait.ge [sflag:s18], $0xC80  }
0x22: {  	[sflag:s18] =	ssyncset.done $0x0  }
0x23: {  	s7 =	rddreg [dreg:$0x9];
	[sflag:s18] =	ssyncadd.s32 $0xFFFFF380  }
0x24: {  	[tilespmem:s20], [sflag:$0x3] =	stream.linear.gather [hbm4b:s7+s2], $0xC80, $0x38;
	[tilespmem:$0xE580] =	vst v63  }
0x25: {  	_ =	swait.ge [sflag:s18], $0xC80  }
0x26: {  	[sflag:s18] =	ssyncset.done $0x0  }
0x27: {  	[sflag:s18] =	ssyncadd.s32 $0xFFFFF380  }
0x28: {  	[tilespmem:s21], [sflag:$0x1] =	stream.indirect.gather [hbm4b:s3+s24], $0x80, s2, s24, $0xb8;
	[tilespmem:$0xE580] =	vst v63  }
0x29: {  	_ = 	snop  }
0x2a: {  	[tilespmem:s22], [sflag:$0x1] =	stream.indirect.gather [hbm4b:s4+s24], $0x80, s19, s24, $0xb8;
	[tilespmem:$0xE580] =	vst v63  }
0x2b: {  	_ = 	snop  }
0x2c: {  	[tilespmem:s23], [sflag:$0x1] =	stream.indirect.gather [hbm4b:s5+s24], $0x80, s20, s24, $0xb8;
	[tilespmem:$0xE580] =	vst v63  }
0x2d: {  	_ = 	snop  }
0x2e: {  	[tilespmem:s25], [sflag:$0x2] =	stream.indirect.gather [hbm4b:s3+s24], $0x80, s24, s24, $0xb8;
	[tilespmem:$0xE580] =	vst v63  }
0x2f: {  	s0 =	simm.s32 $0xCC0  }
0x30: {  	[tilespmem:s26], [sflag:$0x2] =	stream.indirect.gather [hbm4b:s4+s24], $0x80, s0, s24, $0xb8;
	[tilespmem:$0xE580] =	vst v63  }
0x31: {  	s1 =	simm.s32 $0x1940  }
0x32: {  	[tilespmem:s28], [sflag:$0x2] =	stream.indirect.gather [hbm4b:s5+s24], $0x80, s1, s24, $0xb8;
	[tilespmem:$0xE580] =	vst v63  }
0x33: {  	_ =	swait.ge [sflag:s29], $0x2000  }
0x34: {  	[sflag:s29] =	ssyncset.done $0x0  }
0x35: {  	[sflag:s29] =	ssyncadd.s32 $0xFFFFE000  }
0x36: {  	_ =	swait.ge [sflag:s29], $0x2000  }
0x37: {  	[sflag:s29] =	ssyncset.done $0x0  }
0x38: {  	[sflag:s29] =	ssyncadd.s32 $0xFFFFE000  }
0x39: {  	_ =	swait.ge [sflag:s29], $0x2000  }
0x3a: {  	s6 =	rddreg [dreg:$0x5];
	[sflag:s29] =	ssyncset.done $0x0  }
0x3b: {  	[sflag:s29] =	ssyncadd.s32 $0xFFFFE000;
	s6 =	sadd.s32 $0x0, s6  }
0x3c: {  	[hbm4b:s6+s2] =	stream.linear.scatter [tilespmem:s21], [sflag:$0x3], $0x2000, $0x38;
	[tilespmem:$0xE580] =	vst v63  }
0x3d: {  	_ =	swait.ge [sflag:s18], $0x2000  }
0x3e: {  	s8 =	rddreg [dreg:$0x4];
	[sflag:s18] =	ssyncset.done $0x0  }
0x3f: {  	[sflag:s18] =	ssyncadd.s32 $0xFFFFE000;
	s6 =	sadd.s32 $0x0, s8  }
0x40: {  	[hbm4b:s6+s2] =	stream.linear.scatter [tilespmem:s22], [sflag:$0x3], $0x2000, $0x38;
	[tilespmem:$0xE580] =	vst v63  }
0x41: {  	_ =	swait.ge [sflag:s18], $0x2000  }
0x42: {  	s9 =	rddreg [dreg:$0x3];
	[sflag:s18] =	ssyncset.done $0x0  }
0x43: {  	[sflag:s18] =	ssyncadd.s32 $0xFFFFE000;
	s6 =	sadd.s32 $0x0, s9  }
0x44: {  	[hbm4b:s6+s2] =	stream.linear.scatter [tilespmem:s23], [sflag:$0x3], $0x2000, $0x38;
	[tilespmem:$0xE580] =	vst v63  }
0x45: {  	_ =	swait.ge [sflag:s18], $0x2000  }
0x46: {  	[sflag:s18] =	ssyncset.done $0x0  }
0x47: {  	s7 =	simm.s32 $0x80;
	[sflag:s18] =	ssyncadd.s32 $0xFFFFE000  }
0x48: {  	[tilespmem:s21], [sflag:$0x1] =	stream.indirect.gather [hbm4b:s3+s24], $0x80, s7, s24, $0xb8;
	[tilespmem:$0xE580] =	vst v63  }
0x49: {  	s8 =	simm.s32 $0xD00  }
0x4a: {  	[tilespmem:s22], [sflag:$0x1] =	stream.indirect.gather [hbm4b:s4+s24], $0x80, s8, s24, $0xb8;
	[tilespmem:$0xE580] =	vst v63  }
0x4b: {  	s9 =	simm.s32 $0x1980  }
0x4c: {  	[tilespmem:s23], [sflag:$0x1] =	stream.indirect.gather [hbm4b:s5+s24], $0x80, s9, s24, $0xb8;
	[tilespmem:$0xE580] =	vst v63  }
0x4d: {  	_ =	swait.ge [sflag:s30], $0x2000  }
0x4e: {  	[sflag:s30] =	ssyncset.done $0x0  }
0x4f: {  	[sflag:s30] =	ssyncadd.s32 $0xFFFFE000  }
0x50: {  	_ =	swait.ge [sflag:s30], $0x2000  }
0x51: {  	[sflag:s30] =	ssyncset.done $0x0  }
0x52: {  	[sflag:s30] =	ssyncadd.s32 $0xFFFFE000  }
0x53: {  	_ =	swait.ge [sflag:s30], $0x2000  }
0x54: {  	s7 =	rddreg [dreg:$0x6];
	[sflag:s30] =	ssyncset.done $0x0  }
0x55: {  	[sflag:s30] =	ssyncadd.s32 $0xFFFFE000;
	s6 =	sadd.s32 $0x0, s7  }
0x56: {  	[hbm4b:s6+s2] =	stream.linear.scatter [tilespmem:s25], [sflag:$0x3], $0x2000, $0x38;
	[tilespmem:$0xE580] =	vst v63  }
0x57: {  	_ =	swait.ge [sflag:s18], $0x2000  }
0x58: {  	[sflag:s18] =	ssyncset.done $0x0  }
0x59: {  	s8 =	sadd.s32 $0x0, s16;
	[sflag:s18] =	ssyncadd.s32 $0xFFFFE000  }
0x5a: {  	[hbm4b:s8+s2] =	stream.linear.scatter [tilespmem:s26], [sflag:$0x3], $0x2000, $0x38;
	[tilespmem:$0xE580] =	vst v63  }
0x5b: {  	_ =	swait.ge [sflag:s18], $0x2000  }
0x5c: {  	[sflag:s18] =	ssyncset.done $0x0  }
0x5d: {  	s9 =	sadd.s32 $0x0, s17;
	[sflag:s18] =	ssyncadd.s32 $0xFFFFE000  }
0x5e: {  	[hbm4b:s9+s2] =	stream.linear.scatter [tilespmem:s28], [sflag:$0x3], $0x2000, $0x38;
	[tilespmem:$0xE580] =	vst v63  }
0x5f: {  	_ =	swait.ge [sflag:s18], $0x2000  }
0x60: {  	s7 =	simm.s32 $0xC0;
	s6 =	simm.s32 $0x800;
	[sflag:s18] =	ssyncset.done $0x0  }
.LBB2_2:
0x61: {  	[sflag:s18] =	ssyncadd.s32 $0xFFFFE000  }
0x62: {  	[tilespmem:s25], [sflag:$0x2] =	stream.indirect.gather [hbm4b:s3+s24], $0x80, s7, s24, $0xb8;
	[tilespmem:$0xE580] =	vst v63  }
0x63: {  	s0 =	sadd.s32 $0x80, s0  }
0x64: {  	[tilespmem:s26], [sflag:$0x2] =	stream.indirect.gather [hbm4b:s4+s24], $0x80, s0, s24, $0xb8;
	[tilespmem:$0xE580] =	vst v63  }
0x65: {  	s1 =	sadd.s32 $0x80, s1  }
0x66: {  	[tilespmem:s28], [sflag:$0x2] =	stream.indirect.gather [hbm4b:s5+s24], $0x80, s1, s24, $0xb8;
	[tilespmem:$0xE580] =	vst v63  }
0x67: {  	_ =	swait.ge [sflag:s29], $0x2000  }
0x68: {  	[sflag:s29] =	ssyncset.done $0x0  }
0x69: {  	[sflag:s29] =	ssyncadd.s32 $0xFFFFE000  }
0x6a: {  	_ =	swait.ge [sflag:s29], $0x2000  }
0x6b: {  	[sflag:s29] =	ssyncset.done $0x0  }
0x6c: {  	[sflag:s29] =	ssyncadd.s32 $0xFFFFE000  }
0x6d: {  	_ =	swait.ge [sflag:s29], $0x2000  }
0x6e: {  	s8 =	smov.u32 s6;
	s9 =	rddreg [dreg:$0x5];
	[sflag:s29] =	ssyncset.done $0x0  }
0x6f: {  	[sflag:s29] =	ssyncadd.s32 $0xFFFFE000;
	s9 =	sadd.s32 s8, s9  }
0x70: {  	[hbm4b:s9+s2] =	stream.linear.scatter [tilespmem:s21], [sflag:$0x3], $0x2000, $0x38;
	[tilespmem:$0xE580] =	vst v63  }
0x71: {  	_ =	swait.ge [sflag:s18], $0x2000  }
0x72: {  	s9 =	rddreg [dreg:$0x4];
	[sflag:s18] =	ssyncset.done $0x0  }
0x73: {  	[sflag:s18] =	ssyncadd.s32 $0xFFFFE000;
	s9 =	sadd.s32 s8, s9  }
0x74: {  	[hbm4b:s9+s2] =	stream.linear.scatter [tilespmem:s22], [sflag:$0x3], $0x2000, $0x38;
	[tilespmem:$0xE580] =	vst v63  }
0x75: {  	_ =	swait.ge [sflag:s18], $0x2000  }
0x76: {  	s9 =	rddreg [dreg:$0x3];
	[sflag:s18] =	ssyncset.done $0x0  }
0x77: {  	[sflag:s18] =	ssyncadd.s32 $0xFFFFE000;
	s9 =	sadd.s32 s8, s9  }
0x78: {  	[hbm4b:s9+s2] =	stream.linear.scatter [tilespmem:s23], [sflag:$0x3], $0x2000, $0x38;
	[tilespmem:$0xE580] =	vst v63  }
0x79: {  	_ =	swait.ge [sflag:s18], $0x2000  }
0x7a: {  	[sflag:s18] =	ssyncset.done $0x0  }
0x7b: {  	s9 =	sadd.s32 $0x40, s7;
	[sflag:s18] =	ssyncadd.s32 $0xFFFFE000  }
0x7c: {  	[tilespmem:s21], [sflag:$0x1] =	stream.indirect.gather [hbm4b:s3+s24], $0x80, s9, s24, $0xb8;
	[tilespmem:$0xE580] =	vst v63  }
0x7d: {  	s9 =	sadd.s32 $0x40, s0  }
0x7e: {  	[tilespmem:s22], [sflag:$0x1] =	stream.indirect.gather [hbm4b:s4+s24], $0x80, s9, s24, $0xb8;
	[tilespmem:$0xE580] =	vst v63  }
0x7f: {  	s9 =	sadd.s32 $0x40, s1  }
0x80: {  	[tilespmem:s23], [sflag:$0x1] =	stream.indirect.gather [hbm4b:s5+s24], $0x80, s9, s24, $0xb8;
	[tilespmem:$0xE580] =	vst v63  }
0x81: {  	_ =	swait.ge [sflag:s30], $0x2000  }
0x82: {  	[sflag:s30] =	ssyncset.done $0x0  }
0x83: {  	[sflag:s30] =	ssyncadd.s32 $0xFFFFE000  }
0x84: {  	_ =	swait.ge [sflag:s30], $0x2000  }
0x85: {  	[sflag:s30] =	ssyncset.done $0x0  }
0x86: {  	[sflag:s30] =	ssyncadd.s32 $0xFFFFE000  }
0x87: {  	_ =	swait.ge [sflag:s30], $0x2000  }
0x88: {  	s9 =	rddreg [dreg:$0x6];
	[sflag:s30] =	ssyncset.done $0x0  }
0x89: {  	[sflag:s30] =	ssyncadd.s32 $0xFFFFE000;
	s9 =	sadd.s32 s8, s9  }
0x8a: {  	[hbm4b:s9+s2] =	stream.linear.scatter [tilespmem:s25], [sflag:$0x3], $0x2000, $0x38;
	[tilespmem:$0xE580] =	vst v63  }
0x8b: {  	_ =	swait.ge [sflag:s18], $0x2000  }
0x8c: {  	[sflag:s18] =	ssyncset.done $0x0  }
0x8d: {  	s9 =	sadd.s32 s8, s16;
	[sflag:s18] =	ssyncadd.s32 $0xFFFFE000  }
0x8e: {  	[hbm4b:s9+s2] =	stream.linear.scatter [tilespmem:s26], [sflag:$0x3], $0x2000, $0x38;
	[tilespmem:$0xE580] =	vst v63  }
0x8f: {  	p0 =	sne.s32 s6, $0xB800;
	_ =	swait.ge [sflag:s18], $0x2000  }
.Ltmp0:
0x90: {  	[sflag:s18] =	ssyncset.done $0x0;
	(pc) =	sbr.rel @p0 .LBB2_2-.Ltmp0, $4  }
0x91: {  	s8 =	sadd.s32 s8, s17;
	[sflag:s18] =	ssyncadd.s32 $0xFFFFE000  }
0x92: {  	[hbm4b:s8+s2] =	stream.linear.scatter [tilespmem:s28], [sflag:$0x3], $0x2000, $0x38;
	[tilespmem:$0xE580] =	vst v63  }
0x93: {  	_ =	swait.ge [sflag:s18], $0x2000  }
0x94: {  	s6 =	sadd.s32 $0x800, s6;
	s7 =	sadd.s32 $0x80, s7;
	[sflag:s18] =	ssyncset.done $0x0  }
0x95: {  	[sflag:s18] =	ssyncadd.s32 $0xFFFFE000;
	s0 =	simm.s32 $0xC40  }
0x96: {  	[tilespmem:s25], [sflag:$0x2] =	stream.indirect.gather [hbm4b:s3+s24], $0x80, s0, s24, $0xb8;
	[tilespmem:$0xE580] =	vst v63  }
0x97: {  	s7 =	simm.s32 $0x18C0  }
0x98: {  	[tilespmem:s26], [sflag:$0x2] =	stream.indirect.gather [hbm4b:s4+s24], $0x80, s7, s24, $0xb8;
	[tilespmem:$0xE580] =	vst v63  }
0x99: {  	s8 =	simm.s32 $0x2540  }
0x9a: {  	[tilespmem:s28], [sflag:$0x2] =	stream.indirect.gather [hbm4b:s5+s24], $0x80, s8, s24, $0xb8;
	[tilespmem:$0xE580] =	vst v63  }
0x9b: {  	_ =	swait.ge [sflag:s29], $0x2000  }
0x9c: {  	[sflag:s29] =	ssyncset.done $0x0  }
0x9d: {  	[sflag:s29] =	ssyncadd.s32 $0xFFFFE000  }
0x9e: {  	_ =	swait.ge [sflag:s29], $0x2000  }
0x9f: {  	[sflag:s29] =	ssyncset.done $0x0  }
0xa0: {  	[sflag:s29] =	ssyncadd.s32 $0xFFFFE000  }
0xa1: {  	_ =	swait.ge [sflag:s29], $0x2000  }
0xa2: {  	[sflag:s29] =	ssyncset.done $0x0  }
0xa3: {  	s9 =	rddreg [dreg:$0xa];
	[sflag:s29] =	ssyncadd.s32 $0xFFFFE000  }
0xa4: {  	[hbm4b:s9+s2] =	stream.linear.scatter [tilespmem:s21], [sflag:$0x3], $0x2000, $0x38;
	[tilespmem:$0xE580] =	vst v63  }
0xa5: {  	_ =	swait.ge [sflag:s18], $0x2000  }
0xa6: {  	[sflag:s18] =	ssyncset.done $0x0  }
0xa7: {  	[sflag:s18] =	ssyncadd.s32 $0xFFFFE000  }
0xa8: {  	[hbm4b:s10+s2] =	stream.linear.scatter [tilespmem:s22], [sflag:$0x3], $0x2000, $0x38;
	[tilespmem:$0xE580] =	vst v63  }
0xa9: {  	_ =	swait.ge [sflag:s18], $0x2000  }
0xaa: {  	[sflag:s18] =	ssyncset.done $0x0  }
0xab: {  	[sflag:s18] =	ssyncadd.s32 $0xFFFFE000  }
0xac: {  	[hbm4b:s11+s2] =	stream.linear.scatter [tilespmem:s23], [sflag:$0x3], $0x2000, $0x38;
	[tilespmem:$0xE580] =	vst v63  }
0xad: {  	_ =	swait.ge [sflag:s18], $0x2000  }
0xae: {  	[sflag:s18] =	ssyncset.done $0x0  }
0xaf: {  	[sflag:s18] =	ssyncadd.s32 $0xFFFFE000  }
0xb0: {  	_ =	swait.ge [sflag:s30], $0x2000  }
0xb1: {  	[sflag:s30] =	ssyncset.done $0x0  }
0xb2: {  	[sflag:s30] =	ssyncadd.s32 $0xFFFFE000  }
0xb3: {  	_ =	swait.ge [sflag:s30], $0x2000  }
0xb4: {  	[sflag:s30] =	ssyncset.done $0x0  }
0xb5: {  	[sflag:s30] =	ssyncadd.s32 $0xFFFFE000  }
0xb6: {  	_ =	swait.ge [sflag:s30], $0x2000  }
0xb7: {  	[sflag:s30] =	ssyncset.done $0x0  }
0xb8: {  	[sflag:s30] =	ssyncadd.s32 $0xFFFFE000  }
0xb9: {  	[hbm4b:s12+s2] =	stream.linear.scatter [tilespmem:s25], [sflag:$0x3], $0x2000, $0x38;
	[tilespmem:$0xE580] =	vst v63  }
0xba: {  	_ =	swait.ge [sflag:s18], $0x2000  }
0xbb: {  	[sflag:s18] =	ssyncset.done $0x0  }
0xbc: {  	[sflag:s18] =	ssyncadd.s32 $0xFFFFE000  }
0xbd: {  	[hbm4b:s13+s2] =	stream.linear.scatter [tilespmem:s26], [sflag:$0x3], $0x2000, $0x38;
	[tilespmem:$0xE580] =	vst v63  }
0xbe: {  	s31 =	sadd.s32 $0x1, s31;
	_ =	swait.ge [sflag:s18], $0x2000  }
0xbf: {  	p0 =	sne.s32 s31, s15;
	[sflag:s18] =	ssyncset.done $0x0  }
.Ltmp1:
0xc0: {  	[sflag:s18] =	ssyncadd.s32 $0xFFFFE000;
	(pc) =	sbr.rel @p0 .LBB2_1-.Ltmp1, $4  }
0xc1: {  	[hbm4b:s14+s2] =	stream.linear.scatter [tilespmem:s28], [sflag:$0x3], $0x2000, $0x38;
	[tilespmem:$0xE580] =	vst v63  }
0xc2: {  	_ =	swait.ge [sflag:s18], $0x2000  }
0xc3: {  	[sflag:s18] =	ssyncset.done $0x0  }
0xc4: {  	[sflag:s18] =	ssyncadd.s32 $0xFFFFE000  }
0xc5: {  	_ =	sfence.sel $0x180000  }
0xc6: {  	[bflag:$0x0] =	sbarrier.arrive $0xFFFF  }
0xc7: {  	_ =	strace $0x9000004A  }
0xc8: {  	s0 =	stileid.u32;
	[bflag:$0x2] =	sbarrier.arrive $0xFFFF  }
0xc9: {  	p0 =	sne.s32 s0, $0x0;
	s0 =	rddreg [dreg:$0x2]  }
0xca: {  	s0 =	sadd.s32 @!p0 $0x100000, s0  }
0xcb: {  	[sflag:s0] =	ssyncadd.tile.s32 @!p0 $0x1;
	_ =	shalt  }
.Lfunc_end2:
_tile_overlayer_lowered:
.L_overlay_start_2:
0xcc: {  	(tag) =	ssettag $0x2  }
0xcd: {  	s0 =	rddreg [dreg:$0x0];
	s2 =	stileid.u32  }
0xce: {  	s1 =	rddreg [dreg:$0x1];
	p0 =	sne.s32 s2, $0x0  }
0xcf: {  	s3 =	rddreg [dreg:$0x2];
	[bflag:$0x3] =	sbarrier.arrive $0xFFFF;
	s2 =	simm.s32 @!p0 $0x1C03  }
0xd0: {  	[timem:s3], [sflag:s2] =	dma.local @!p0 [hbm:s0], s1  }
0xd1: {  	s0 =	simm.s32 @!p0 $0x3  }
0xd2: {  	_ =	swait.ge @!p0 [sflag:s0], s1  }
0xd3: {  	s1 =	ssub.s32 @!p0 $0x0, s1;
	[sflag:s0] =	ssyncset.done @!p0 $0x0  }
0xd4: {  	[sflag:s0] =	ssyncadd.s32 @!p0 s1  }
0xd5: {  	[bflag:$0x3] =	sbarrier.arrive $0xFFFF  }
0xd6: {  	_ =	shalt  }

// kernel: sparse-core-data-format-call.cloned.1.call-start
scs
called_computation_lowered:
.L_overlay_start_0:
0x0: {  	s2 =	sld [smem:$0x3FD9]  }
0x1: {  	s3 =	sld [smem:$0x3FFE];
	_ =	sdelay $0x1  }
0x2: {  	s1 =	srdreg.scid  }
0x3: {  	s0 =	sand.u32 $0x1, s1  }
0x4: {  	s15 =	sshll.u32 s0, $0xA;
	s2 =	sadd.s32 s3, s2  }
0x5: {  	s2 =	sadd.s32 s2, s15  }
0x6: {  	[smem:$0x3FBC] =	sst s2  }
0x7: {  	_ = 	snop  }
0x8: {  	s2 =	sld [smem:$0x3FD0];
	_ =	sdelay $0x2  }
0x9: {  	s16 =	simm.s32 $0xB;
	s4 =	simm.s32 $0x10  }
0xa: {  	[smem:s4], [sflag:s16] =	dma.local [hbm:s2], $0x1  }
0xb: {  	_ =	swait.eq [sflag:s16], $0x1  }
0xc: {  	[sflag:s16] =	ssyncset.done $0x0  }
0xd: {  	[sflag:s16] =	ssyncadd.s32 $0xFFFFFFFF  }
0xe: {  	s17 =	sld [smem:$0x10];
	(tm) =	ssettm $0x1  }
0xf: {  	s18 =	sld [smem:$0x3FFB];
	_ =	sdelay $0x3  }
0x10: {  	_ =	strace s18  }
0x11: {  	s3 =	sld [smem:$0x3FFC];
	_ =	sdelay $0x3  }
0x12: {  	_ =	strace s3  }
0x13: {  	s3 =	sld [smem:$0x3FFD];
	_ =	sdelay $0x3  }
0x14: {  	_ =	strace s3  }
0x15: {  	_ =	strace $0x8FFFFFFF  }
0x16: {  	s19 =	sld [smem:$0x3FDB];
	_ =	sdelay $0x1  }
0x17: {  	s20 =	simm.s32 $_scs_section_size  }
0x18: {  	s5 =	simm.s32 $_size__tile_overlayer_lowered;
	s6 =	simm.s32 $_tile_overlayer_lowered  }
0x19: {  	s23 =	simm.s32 $0x1BFF;
	s22 =	sshll.u32 s6, $0x1;
	s3 =	sadd.s32 s20, s19  }
0x1a: {  	s7 =	simm.s32 $0x0;
	s21 =	sshll.u32 s5, $0x1;
	s5 =	sadd.s32 s22, s3  }
0x1b: {  	[timem:s7], [sflag:s23] =	dma.local [hbm:s5], s21  }
0x1c: {  	_ =	swait.ge [sflag:s23], s21  }
0x1d: {  	s4 =	ssub.s32 $0x0, s21;
	[sflag:s23] =	ssyncset.done $0x0  }
0x1e: {  	[sflag:s23] =	ssyncadd.s32 s4;
	_ =	sdelay $0x1  }
0x1f: {  	s24 =	simm.s32 $0x1B8B  }
0x20: {  	_ =	swait.ge [sflag:s24], $0x1  }
0x21: {  	[sflag:s24] =	ssyncset.done $0x0  }
0x22: {  	s26 =	simm.s32 $0x1B8E;
	s25 =	sld [smem:$0x3FFE];
	[sflag:s24] =	ssyncadd.s32 $0xFFFFFFFF  }
0x23: {  	s27 =	simm.s32 $execute0_lowered;
	[smem:$0x3FD2] =	sst s26  }
0x24: {  	s5 =	sshll.u32 s27, $0x1;
	_ =	strace $0x8000004C;
	[dreg:$0x1] =	wrdreg $0xFFFFFFFF  }
0x25: {  	s28 =	simm.s32 $_size_execute0_lowered;
	s3 =	sadd.s32 s3, s5;
	[dreg:$0x0] =	wrdreg $0x0  }
0x26: {  	s5 =	sshll.u32 s28, $0x1;
	[dreg:$0x2] =	wrdreg s3  }
0x27: {  	[dreg:$0x3] =	wrdreg s5  }
0x28: {  	[dreg:$0x4] =	wrdreg $0xC0  }
0x29: {  	_ =	task [dreg:s7], $0x5FFFF  }
0x2a: {  	[dreg:$0x1] =	wrdreg $0xFFFFFFFF  }
0x2b: {  	[dreg:$0x0] =	wrdreg $0x60  }
0x2c: {  	[dreg:$0x2] =	wrdreg s25  }
0x2d: {  	[dreg:$0x3] =	wrdreg s17  }
0x2e: {  	[dreg:$0x4] =	wrdreg $0x9  }
0x2f: {  	_ =	task.clear_ibuf [dreg:s7], $0x5FFFF;
	_ =	strace $0x9000004C  }
0x30: {  	s29 =	simm.s32 $0x9;
	_ =	strace $0x8000004E  }
0x31: {  	_ =	swait.ge [sflag:s29], $0x1  }
0x32: {  	[sflag:s29] =	ssyncadd.s32 $0xFFFFFFFF  }
0x33: {  	_ =	strace $0x9000004E  }
0x34: {  	_ =	sfence  }
0x35: {  	s30 =	sld [smem:$0x0];
	_ =	sdelay $0x2  }
0x36: {  	s31 =	sshll.u32 s1, $0xD;
	s1 =	sshrl.u32 s1, $0x2  }
0x37: {  	s3 =	sand.u32 $0x4000, s31;
	s1 =	sadd.s32 s1, s30  }
0x38: {  	s0 =	sor.u32 s3, s0;
	s1 =	sshll.u32 s1, $0x11  }
0x39: {  	s0 =	sor.u32 s1, s0  }
0x3a: {  	s0 =	sadd.s32 $0x8F2B, s0  }
0x3b: {  	[sflag:s0] =	ssyncadd.remote.s32 $0x1  }
0x3c: {  	_ =	sfence.sel $0xFFFF  }
0x3d: {  	[dreg:$0x0] =	wrdreg $0xFFFFFFFF;
	(pc) =	sbr.abs _section_cstart, $3  }
0x3e: {  	[dreg:$0x1] =	wrdreg $0xFFFFFFFF  }
0x3f: {  	_ =	task.clear_ibuf [dreg:s7], $0x2FFFF;
	_ =	strace $0x9FFFFFFF  }
0x40: {  	(tm) =	ssettm $0x7FFFFFFF  }
0x41: {  	_ =	shalt  }
tec
execute0_lowered:
.L_overlay_start_1:
0x0: {  	(tag) =	ssettag $0x1  }
0x1: {  	s4 =	rddreg [dreg:$0x0]  }
0x2: {  	s2 =	rddreg [dreg:$0x1];
	s1 =	stileid.u32  }
0x3: {  	s0 =	rddreg [dreg:$0x2];
	_ =	strace $0x8000004D;
	s10 =	srdreg.scid  }
0x4: {  	s31 =	simm.s32 $0x2;
	s18 =	simm.s32 $0x0;
	s11 =	simm.s32 $0x2000  }
0x5: {  	s19 =	simm.s32 $0x0;
	s20 =	simm.s32 $0x0;
	s12 =	simm.s32 $0x0  }
0x6: {  	s13 =	simm.s32 $0x0;
	s14 =	simm.s32 $0x0;
	s3 =	sshll.u32 s1, $0x7  }
0x7: {  	s17 =	simm.s32 $0x0;
	s4 =	sadd.s32 $0xB6C600, s4;
	s3 =	sand.u32 $0x380, s3  }
0x8: {  	s5 =	sshrl.u32 s1, $0x3;
	s30 =	sshll.u32 s10, $0x7;
	s6 =	ssub.s32 $0x400, s3  }
0x9: {  	s8 =	ssub.s32 $0xC8, s5;
	s7 =	sshrl.u32 s6, $0xA;
	s6 =	sand.u32 $0x380, s6  }
0xa: {  	s9 =	sshrl.u32 s8, $0x1;
	p0 =	sne.s32 s6, $0x0;
	s6 =	simm.s32 $0x1  }
.Ltmp0:
0xb: {  	s8 =	sand.u32 $0x1, s8;
	s6 =	simm.s32 @!p0 $0x0;
	(pc) =	sbr.rel .LBB1_1-.Ltmp0, $4  }
0xc: {  	s15 =	smov.u32 s5;
	s8 =	sadd.s32 s8, s9;
	s7 =	sadd.s32 s6, s7  }
0xd: {  	s16 =	smov.u32 s3;
	s6 =	simm.s32 $0x1;
	s7 =	smul.u32 s8, s7  }
0xe: {  	p0 =	por $0x0, $0x0;
	s8 =	sand.u32 $0x80, s30;
	[sflag:s6] =	ssyncpa.u1 $0x0  }
0xf: {  	[sflag:s31] =	ssyncpa.u1 $0x0;
	s9 =	sshll.u32 s8, $0x3;
	s10 =	sadd.s32 $0x1, s7  }
.LBB1_4:
0x10: {  	s25 =	sshra.s32 s25, $0x2;
	s26 =	sshrl.u32 s14, $0x7;
	p1 =	sgt.s32 s14, $0x380  }
0x11: {  	s27 =	sshra.s32 s14, $0x1F;
	s29 =	smov.u32 s13;
	s31 =	sshra.s32 s13, $0x1F  }
0x12: {  	s24 =	sadd.s32 s25, s24;
	s30 =	sadd.s32 s26, s12;
	s26 =	smov.u32 s14  }
0x13: {  	v5 =	vld [tilespmem:s22+$0xFFFFFFD0];
	[tilespmem:s23+$0x2040 ss:$0x81] =	vst.msk $0xffff, v4;
	s27 =	sand.u32 s27, s14;
	s25 =	sand.u32 $0x3FFFFF, s30;
	s26 =	simm.s32 @!p1 $0x380  }
0x14: {  	v58 =	vld [tilespmem:s22+$0xFFFFFFE0];
	[tilespmem:s23+$0x2850 ss:$0x81] =	vst.msk $0xffff, v3;
	p1 =	sgt.s32 s13, $0xC7;
	s28 =	smulhi.u32 $0x1555556, s25;
	s26 =	ssub.s32 s26, s27  }
0x15: {  	v59 =	vld [tilespmem:s22+$0xFFFFFFF0];
	[tilespmem:s23+$0x3060 ss:$0x81] =	vst.msk $0xffff, v2;
	s29 =	simm.s32 @!p1 $0xC7;
	s27 =	sand.u32 s31, s13;
	p1 =	sgt.s32 s12, $0x40  }
0x16: {  	v60 =	vld [tilespmem:s22+$0x0];
	[tilespmem:s23+$0x0 ss:$0x81] =	vst.msk $0xffff, v1;
	s23 =	ssub.s32 s29, s27;
	s27 =	smov.u32 s12;
	s30 =	sadd.s32 $0xFFFFFC80, s26  }
0x17: {  	v61 =	vld [tilespmem:s22+$0x10];
	[tilespmem:s24+$0x3870 ss:$0x81] =	vst.msk $0xffff, v0;
	s26 =	ssub.s32 $0x400, s26;
	s27 =	simm.s32 @!p1 $0x40;
	p1 =	sgt.s32 s30, $0x7F  }
0x18: {  	v62 =	vld [tilespmem:s22+$0x20];
	s28 =	smul.u32 $0xC0, s28;
	[tilespmem:s24+$0x810 ss:$0x81] =	vst.msk $0xffff, v5;
	s27 =	ssub.s32 $0xC0, s27;
	s26 =	simm.s32 @p1 $0x0  }
0x19: {  	v63 =	vld [tilespmem:s22+$0xFFFFFFC0];
	s29 =	sand.u32 $0x7, s14;
	s31 =	sadd.s32 $0xFFFFFF39, s23;
	[tilespmem:s24+$0x1020 ss:$0x81] =	vst.msk $0xffff, v58;
	s26 =	smul.u32 s27, s26  }
0x1a: {  	s22 =	ssub.s32 $0xC8, s23;
	[tilespmem:s24+$0x1830 ss:$0x81] =	vst.msk $0xffff, v59;
	p1 =	sgt.s32 s31, $0x0;
	s27 =	smul.u32 $0x6000, s13  }
0x1b: {  	[tilespmem:s24+$0x2040 ss:$0x81] =	vst.msk $0xffff, v60;
	s22 =	simm.s32 @p1 $0x0;
	s25 =	ssub.s32 s25, s28;
	s28 =	sshrl.u32 s14, $0x3  }
0x1c: {  	[tilespmem:s24+$0x2850 ss:$0x81] =	vst.msk $0xffff, v61;
	s23 =	sand.u32 $0xF, s28;
	s22 =	smul.u32 s22, s26;
	s26 =	sadd.s32 s2, s27  }
0x1d: {  	[tilespmem:s24+$0x3060 ss:$0x81] =	vst.msk $0xffff, v62;
	s30 =	sshll.u32 s29, $0x12;
	s25 =	sshll.u32 s25, $0x7;
	s23 =	sadd.s32 s23, s26  }
0x1e: {  	[tilespmem:s24+$0x0 ss:$0x81] =	vst.msk $0xffff, v63;
	s31 =	sor.u32 $0x400, s30;
	s22 =	sand.u32 $0x3FFFFFFF, s22;
	s23 =	sadd.s32 s25, s23  }
0x1f: {  	[hbm4b:s23+s31] =	stream.strided.scatter [tilespmem:s21], [sflag:$0x2], s22, s11, s31, $0x20;
	[tilespmem:$0x10100] =	vst v63  }
.LBB1_5:
0x20: {  	p1 =	slt.u32 s17, $0x2;
	s21 =	smov.u32 s19  }
0x21: {  	s22 =	smov.u32 s20;
	p2 =	sgt.s32 @!p1 s19, $0xC7;
	p3 =	sgt.s32 @!p1 s20, $0x380  }
0x22: {  	s23 =	sshra.s32 @!p1 s20, $0x1F;
	p2 =	por !p2, p1;
	p3 =	por !p3, p1  }
0x23: {  	s20 =	sand.u32 @!p1 s23, s20;
	s21 =	simm.s32 @p2 $0xC7;
	s22 =	simm.s32 @p3 $0x380  }
0x24: {  	p2 =	sgt.s32 @!p1 s18, $0x40;
	s20 =	ssub.s32 @!p1 s22, s20;
	s22 =	sshra.s32 @!p1 s19, $0x1F  }
0x25: {  	p2 =	por !p2, p1;
	s19 =	sand.u32 @!p1 s22, s19;
	s22 =	sadd.s32 @!p1 $0xFFFFFC80, s20  }
0x26: {  	s18 =	simm.s32 @p2 $0x40;
	s19 =	ssub.s32 @!p1 s21, s19;
	p2 =	sgt.s32 @!p1 s22, $0x7F  }
0x27: {  	s20 =	ssub.s32 @!p1 $0x400, s20;
	s21 =	sadd.s32 @!p1 $0xFFFFFF39, s19;
	p2 =	por !p2, p1  }
0x28: {  	s18 =	ssub.s32 @!p1 $0xC0, s18;
	s20 =	simm.s32 @!p2 $0x0;
	p2 =	sgt.s32 @!p1 s21, $0x0  }
0x29: {  	s19 =	ssub.s32 @!p1 $0xC8, s19;
	p2 =	por !p2, p1;
	s18 =	smul.u32 @!p1 s18, s20  }
0x2a: {  	s23 =	smov.u32 s16;
	s21 =	sadd.s32 $0x2, s15;
	s19 =	simm.s32 @!p2 $0x0  }
0x2b: {  	p2 =	sgt.s32 s21, $0xC7;
	s18 =	smul.u32 @!p1 s19, s18;
	s19 =	sadd.s32 $0x400, s16  }
0x2c: {  	s25 =	sadd.s32 $0x1, s17;
	s23 =	smov.u32 @p2 s19  }
0x2d: {  	p0 =	por !p0, !p0;
	s21 =	smov.u32 @p2 s5;
	p2 =	sgt.s32 s23, $0x3FF  }
0x2e: {  	s22 =	simm.s32 @!p1 $0x2;
	s23 =	smov.u32 @p2 s3;
	p2 =	sne.s32 s17, s10  }
.Ltmp1:
0x2f: {  	s20 =	smov.u32 s14;
	s14 =	smov.u32 s16;
	(pc) =	sbr.rel @!p2 .LBB1_6-.Ltmp1, $4  }
0x30: {  	s19 =	smov.u32 s13;
	s13 =	smov.u32 s15;
	s18 =	sand.u32 @!p1 $0x3FFFFFFF, s18  }
0x31: {  	s15 =	smov.u32 s21;
	_ =	swait.ge @!p1 [sflag:s22], s18;
	s24 =	ssub.s32 @!p1 $0x0, s18  }
0x32: {  	s18 =	smov.u32 s12;
	s12 =	smov.u32 s8;
	[sflag:s22] =	ssyncset.done @!p1 $0x0  }
0x33: {  	s17 =	smov.u32 s25;
	s16 =	smov.u32 s23;
	[sflag:s22] =	ssyncadd.s32 @!p1 s24  }
.LBB1_1:
0x34: {  	p1 =	sge.u32 s17, s7  }
0x35: {  	s21 =	sshll.u32 @!p1 s15, $0x8  }
0x36: {  	s22 =	sshll.u32 @!p1 s15, $0x7;
	s21 =	sand.u32 @!p1 $0xFFFFF800, s21  }
0x37: {  	s22 =	sand.u32 @!p1 $0x300, s22;
	s21 =	sor.u32 @!p1 s9, s21  }
0x38: {  	s21 =	sor.u32 @!p1 s22, s21  }
0x39: {  	s21 =	sshrl.u32 @!p1 s21, $0x8  }
0x3a: {  	s22 =	smulhi.u32 @!p1 $0x147AE15, s21;
	_ =	sdelay $0x1  }
0x3b: {  	s22 =	smul.u32 @!p1 $0xC8, s22  }
0x3c: {  	s31 =	sadd.s32 $0xFFFFFFFF, s17;
	s23 =	smul.u32 @!p1 $0x1900, s16  }
0x3d: {  	s24 =	sxor.u32 @!p1 $0xFFFFFFFF, s17;
	s21 =	ssub.s32 @!p1 s21, s22;
	s22 =	sshll.u32 @!p1 s15, $0x4  }
0x3e: {  	s24 =	sshll.u32 @!p1 s24, $0xE;
	s23 =	sadd.s32 @!p1 s4, s23;
	s22 =	sand.u32 @!p1 $0x10, s22  }
0x3f: {  	s24 =	sand.u32 @!p1 $0x4000, s24;
	s21 =	sshll.u32 @!p1 s21, $0x5;
	s22 =	sadd.s32 @!p1 s22, s23  }
0x40: {  	s23 =	simm.s32 @!p1 $0xC800;
	s21 =	sadd.s32 @!p1 s21, s22;
	s22 =	simm.s32 @!p1 $0x80  }
0x41: {  	[tilespmem:s24], [sflag:$0x1] =	stream.strided.gather @!p1 [hbm4b:s21+s22], $0x4000, s23, s22, $0x38;
	[tilespmem:$0x10100] =	vst v63  }
0x42: {  	p1 =	sge.u32 s31, s7  }
.Ltmp2:
0x43: {  	_ = 	snop;
	(pc) =	sbr.rel @p1 .LBB1_5-.Ltmp2, $1  }
0x44: {  	_ =	sdelay $0x3  }
0x45: {  	s21 =	simm.s32 $0x1  }
0x46: {  	_ =	swait.ge [sflag:s6], $0x4000;
	s21 =	simm.s32 @!p0 $0x0  }
0x47: {  	[sflag:s6] =	ssyncset.done $0x0;
	s22 =	sshll.u32 s21, $0xE  }
0x48: {  	[sflag:s6] =	ssyncadd.s32 $0xFFFFC000;
	s22 =	sor.u32 $0x40, s22  }
0x49: {  	s21 =	smul.u32 $0x10200, s21;
	v0 =	vld [tilespmem:s22+$0x30]  }
0x4a: {  	v1 =	vld [tilespmem:s22+$0xFFFFFFD0]  }
0x4b: {  	s21 =	sshrl.u32 s21, $0x2;
	v5 =	vld [tilespmem:s22+$0xFFFFFFE0]  }
0x4c: {  	v6 =	vld [tilespmem:s22+$0xFFFFFFF0];
	s24 =	sor.u32 $0x8000, s21  }
0x4d: {  	s31 =	sand.u32 $0x1, s17;
	v4 =	vld [tilespmem:s22+$0x0];
	s23 =	sadd.s32 $0x0, s24  }
0x4e: {  	v3 =	vld [tilespmem:s22+$0x10];
	s21 =	smul.u32 $0x10200, s31;
	[tilespmem:s23+$0x3870 ss:$0x81] =	vst.msk $0xffff, v0  }
0x4f: {  	v2 =	vld [tilespmem:s22+$0x20];
	[tilespmem:s23+$0x810 ss:$0x81] =	vst.msk $0xffff, v1  }
0x50: {  	s21 =	sshrl.u32 s21, $0x2;
	v1 =	vld [tilespmem:s22+$0xFFFFFFC0];
	[tilespmem:s23+$0x1020 ss:$0x81] =	vst.msk $0xffff, v5;
	s22 =	sadd.s32 $0x80, s22  }
0x51: {  	s25 =	simm.s32 $0x4;
	s26 =	simm.s32 $0x8;
	s21 =	sor.u32 $0x8000, s21;
	[tilespmem:s23+$0x1830 ss:$0x81] =	vst.msk $0xffff, v6;
	v0 =	vld [tilespmem:s22+$0x30]  }
.LBB1_3:
0x52: {  	p1 =	sne.s32 s26, $0x1FC;
	v5 =	vld [tilespmem:s22+$0xFFFFFFD0];
	[tilespmem:s23+$0x2040 ss:$0x81] =	vst.msk $0xffff, v4  }
0x53: {  	v6 =	vld [tilespmem:s22+$0xFFFFFFE0];
	[tilespmem:s23+$0x2850 ss:$0x81] =	vst.msk $0xffff, v3  }
0x54: {  	s27 =	sshra.s32 s25, $0x2;
	s25 =	smov.u32 s26;
	v7 =	vld [tilespmem:s22+$0xFFFFFFF0];
	[tilespmem:s23+$0x3060 ss:$0x81] =	vst.msk $0xffff, v2  }
.Ltmp3:
0x55: {  	v4 =	vld [tilespmem:s22+$0x0];
	[tilespmem:s23+$0x0 ss:$0x81] =	vst.msk $0xffff, v1;
	s23 =	sadd.s32 s27, s24;
	(pc) =	sbr.rel @p1 .LBB1_3-.Ltmp3, $4  }
0x56: {  	v3 =	vld [tilespmem:s22+$0x10];
	[tilespmem:s23+$0x3870 ss:$0x81] =	vst.msk $0xffff, v0  }
0x57: {  	[tilespmem:s23+$0x810 ss:$0x81] =	vst.msk $0xffff, v5;
	v2 =	vld [tilespmem:s22+$0x20]  }
0x58: {  	v1 =	vld [tilespmem:s22+$0xFFFFFFC0];
	[tilespmem:s23+$0x1020 ss:$0x81] =	vst.msk $0xffff, v6;
	s22 =	sadd.s32 $0x80, s22  }
0x59: {  	s26 =	sadd.s32 $0x4, s26;
	v0 =	vld [tilespmem:s22+$0x30];
	[tilespmem:s23+$0x1830 ss:$0x81] =	vst.msk $0xffff, v7  }
.Ltmp4:
0x5a: {  	_ = 	snop;
	(pc) =	sbr.rel .LBB1_4-.Ltmp4, $1  }
0x5b: {  	_ =	sdelay $0x3  }
.LBB1_6:
0x5c: {  	_ =	sfence.sel $0x180000  }
0x5d: {  	s2 =	simm.s32 $0x1;
	[bflag:$0x0] =	sbarrier.arrive $0xFFFF  }
0x5e: {  	s31 =	simm.s32 $0x2;
	[sflag:s2] =	ssyncpa.u1 $0x1  }
0x5f: {  	[sflag:s31] =	ssyncpa.u1 $0x1  }
0x60: {  	p0 =	sne.s32 s1, $0x0;
	_ =	strace $0x9000004D  }
0x61: {  	s0 =	sadd.s32 @!p0 $0x100000, s0;
	[bflag:$0x2] =	sbarrier.arrive $0xFFFF  }
0x62: {  	[sflag:s0] =	ssyncadd.tile.s32 @!p0 $0x1;
	_ =	shalt  }
.Lfunc_end1:
_tile_overlayer_lowered:
.L_overlay_start_2:
0x63: {  	(tag) =	ssettag $0x2  }
0x64: {  	s0 =	rddreg [dreg:$0x0];
	s2 =	stileid.u32  }
0x65: {  	s1 =	rddreg [dreg:$0x1];
	p0 =	sne.s32 s2, $0x0  }
0x66: {  	s3 =	rddreg [dreg:$0x2];
	[bflag:$0x3] =	sbarrier.arrive $0xFFFF;
	s2 =	simm.s32 @!p0 $0x1C01  }
0x67: {  	[timem:s3], [sflag:s2] =	dma.local @!p0 [hbm:s0], s1  }
0x68: {  	s0 =	simm.s32 @!p0 $0x1  }
0x69: {  	_ =	swait.ge @!p0 [sflag:s0], s1  }
0x6a: {  	s1 =	ssub.s32 @!p0 $0x0, s1;
	[sflag:s0] =	ssyncset.done @!p0 $0x0  }
0x6b: {  	[sflag:s0] =	ssyncadd.s32 @!p0 s1  }
0x6c: {  	[bflag:$0x3] =	sbarrier.arrive $0xFFFF  }
0x6d: {  	_ =	shalt  }

</sc_bundles>
